<compile_context>
chip_gen: v7x
topology: tpu7x:2x2x1
jax: 0.10.2.dev20260603
libtpu: 0.0.44.dev20260713+nightly
codegen_flags: <defaults>
</compile_context>

<pallas_src>
import jax
import jax.numpy as jnp
from jax import lax
from jax.experimental import pallas as pl
from jax.experimental.pallas import tpu as pltpu
from jax.experimental.pallas import tpu_sc as plsc

_NB = 4
_NBUF = 4


def _sc_gather_chunk(idx1d, weight, b_start, batch_c, fields, embed_dim):
    mesh = plsc.VectorSubcoreMesh(
        core_axis_name="core", subcore_axis_name="subcore"
    )
    info = plsc.get_sparse_core_info()
    nw = info.num_cores * info.num_subcores
    window = _NB * fields
    b_per_w = batch_c // nw
    steps = b_per_w // _NB
    groups = steps // _NBUF - 1
    idx_per_w = b_per_w * fields

    @pl.kernel(
        out_type=jax.ShapeDtypeStruct(
            (batch_c, fields, embed_dim), weight.dtype
        ),
        mesh=mesh,
        scratch_types=[
            pltpu.VMEM((idx_per_w,), jnp.int32),
            pltpu.VMEM((_NBUF, window, embed_dim), jnp.float32),
            pltpu.SemaphoreType.DMA((_NBUF,)),
            pltpu.SemaphoreType.DMA((_NBUF,)),
        ],
    )
    def gather_kernel(x_hbm, i_hbm, o_hbm, idx_v, rows_v, gsem, wsem):
        c = lax.axis_index("core")
        s = lax.axis_index("subcore")
        wid = s * info.num_cores + c
        pltpu.sync_copy(
            i_hbm.at[
                pl.ds(b_start * fields + wid * idx_per_w, idx_per_w)
            ],
            idx_v,
        )

        def issue_gather(step, nb):
            off = pl.multiple_of(step * window, 8)
            pltpu.async_copy(
                x_hbm.at[idx_v.at[pl.ds(off, window)]],
                rows_v.at[nb],
                gsem.at[nb],
            )

        def wait_gather(nb):
            pltpu.make_async_copy(
                x_hbm.at[idx_v.at[pl.ds(0, window)]],
                rows_v.at[nb],
                gsem.at[nb],
            ).wait()

        b_base = wid * b_per_w

        def issue_write(step, nb):
            pltpu.async_copy(
                rows_v.at[nb].reshape(_NB, fields, embed_dim),
                o_hbm.at[pl.ds(b_base + step * _NB, _NB)],
                wsem.at[nb],
            )

        def wait_write(nb):
            pltpu.make_async_copy(
                rows_v.at[nb].reshape(_NB, fields, embed_dim),
                o_hbm.at[pl.ds(b_base, _NB)],
                wsem.at[nb],
            ).wait()

        for nb in range(_NBUF):
            issue_gather(nb, nb)

        @pl.loop(0, groups)
        def _(grp):
            base = grp * _NBUF
            for nb in range(_NBUF):
                wait_gather(nb)
                issue_write(base + nb, nb)
            for nb in range(_NBUF):
                wait_write(nb)
                issue_gather(base + _NBUF + nb, nb)

        base = groups * _NBUF
        for nb in range(_NBUF):
            wait_gather(nb)
            issue_write(base + nb, nb)
        for nb in range(_NBUF):
            wait_write(nb)

    return gather_kernel(weight, idx1d)


def kernel(indices, weight):
    batch, fields = indices.shape
    vocab, embed_dim = weight.shape
    idx1d = indices.reshape(batch * fields).astype(jnp.int32)
    return _sc_gather_chunk(idx1d, weight, 0, batch, fields, embed_dim)

# --- scband reference (transcript-rebuilt; emitter-appended) ---
"""Pipeline reference for scband-word-embedding-23622320128560 (READ-ONLY COPY).

The authoritative reference and input builder live on the scoring server;
editing this copy changes nothing except your own understanding.
"""

import jax, jax.numpy as jnp
import numpy as np

VOCAB = 1000000
EMBED_DIM = 128
BATCH = 16384
FIELDS = 26


def setup_inputs(seed: int = 0) -> dict:
    key = jax.random.key(seed)
    k_idx, k_w = jax.random.split(key)
    indices = jax.random.randint(k_idx, (BATCH, FIELDS), 0, VOCAB, dtype=jnp.int64 if jax.config.jax_enable_x64 else jnp.int32)
    limit = np.sqrt(6.0 / (VOCAB + EMBED_DIM))
    weight = jax.random.uniform(k_w, (VOCAB, EMBED_DIM), dtype=jnp.float32, minval=-limit, maxval=limit)
    return {"indices": indices, "weight": weight}


def reference(indices, weight):
    # WordEmbedding.forward: self.weight[indices]
    return jnp.take(weight, indices, axis=0)

if __name__ == "__main__":
    import jax
    _d = setup_inputs()
    print(jax.jit(kernel)(*tuple(_d.values())))

</pallas_src>

<mosaic_0001>
#map = affine_map<(d0, d1) -> (0, 0)>
#map1 = affine_map<(d0, d1) -> (0)>
#map2 = affine_map<(d0, d1) -> (0, 0, 0)>
module attributes {stable_mosaic.version = 14 : i64} {
  func.func @gather_kernel(%arg0: i32, %arg1: i32, %arg2: memref<1000000x128xf32, #tpu.memory_space<hbm>>, %arg3: memref<425984xi32, #tpu.memory_space<hbm>>, %arg4: memref<16384x26x128xf32, #tpu.memory_space<hbm>>, %arg5: memref<13312xi32, #tpu.memory_space<vmem>>, %arg6: memref<4x104x128xf32, #tpu.memory_space<vmem>>, %arg7: memref<4x!tpu.dma_semaphore, #tpu.memory_space<semaphore_mem>>, %arg8: memref<4x!tpu.dma_semaphore, #tpu.memory_space<semaphore_mem>>) attributes {dimension_semantics = [#tpu.dimension_semantics<core_parallel>, #tpu.dimension_semantics<subcore_parallel>], iteration_bounds = array<i64: 2, 16>, scalar_prefetch = 0 : i64, scratch_operands = 4 : i64, tpu.core_type = #tpu.core_type<sc_vector_subcore>, window_params = [{transform_indices = #map}, {transform_indices = #map1}, {transform_indices = #map2}]} {
    %mul3A = arith.constant 2 : i32
    %mul3A_0 = arith.muli %arg1, %mul3A : i32
    %add3A = arith.addi %mul3A_0, %arg0 : i32
    %mul3A_1 = arith.constant 13312 : i32
    %mul3A_2 = arith.muli %add3A, %mul3A_1 : i32
    %add3A_3 = arith.constant 0 : i32
    %add3A_4 = arith.addi %add3A_3, %mul3A_2 : i32
    "tpu.region"() ({
      %run_scoped3A = tpu.sem_alloc : memref<!tpu.dma_semaphore, #tpu.memory_space<semaphore_mem>>
      %dma_start3A_284 = tpu.memref_slice %arg3[%add3A_4] : memref<425984xi32, #tpu.memory_space<hbm>> -> memref<13312xi32, #tpu.memory_space<hbm>>
      %dma_start3A_285 = tpu.memref_slice %arg3[%add3A_4] : memref<425984xi32, #tpu.memory_space<hbm>> -> memref<13312xi32, #tpu.memory_space<hbm>>
      tpu.enqueue_dma source(%dma_start3A_285 : memref<13312xi32, #tpu.memory_space<hbm>>) target(%arg5 : memref<13312xi32, #tpu.memory_space<vmem>>) target_semaphore(%run_scoped3A : memref<!tpu.dma_semaphore, #tpu.memory_space<semaphore_mem>>)
      %dma_wait3A_286 = tpu.memref_slice %arg3[%add3A_4] : memref<425984xi32, #tpu.memory_space<hbm>> -> memref<13312xi32, #tpu.memory_space<hbm>>
      %dma_wait3A_287 = tpu.memref_slice %arg3[%add3A_4] : memref<425984xi32, #tpu.memory_space<hbm>> -> memref<13312xi32, #tpu.memory_space<hbm>>
      tpu.wait_dma2 semaphore(%run_scoped3A : memref<!tpu.dma_semaphore, #tpu.memory_space<semaphore_mem>>) src(%dma_wait3A_287 : memref<13312xi32, #tpu.memory_space<hbm>>) dst(%arg5 : memref<13312xi32, #tpu.memory_space<vmem>>)
      tpu.yield
    }) : () -> ()
    %mul3A_5 = arith.constant 512 : i32
    %mul3A_6 = arith.muli %add3A, %mul3A_5 : i32
    %multiple_of3A = arith.constant 0 : i32
    %multiple_of3A_7 = tpu.assume_multiple %multiple_of3A, 8 : i32
    %dma_start3A = arith.constant 0 : i32
    %dma_start3A_8 = arith.constant 0 : i32
    %dma_start3A_9 = arith.constant 0 : i32
    %dma_start3A_10 = arith.constant 0 : i32
    %dma_start3A_11 = tpu.memref_slice %arg6[%dma_start3A, %dma_start3A_9, %dma_start3A_10] : memref<4x104x128xf32, #tpu.memory_space<vmem>> -> memref<1x104x128xf32, #tpu.memory_space<vmem>>
    %dma_start3A_12 = tpu.memref_squeeze %dma_start3A_11 : memref<1x104x128xf32, #tpu.memory_space<vmem>> -> memref<104x128xf32, #tpu.memory_space<vmem>>
    %dma_start3A_13 = tpu.memref_slice %arg5[%multiple_of3A_7] : memref<13312xi32, #tpu.memory_space<vmem>> -> memref<104xi32, #tpu.memory_space<vmem>>
    %dma_start3A_14 = arith.constant 0 : i32
    %dma_start3A_15 = arith.constant 0 : i32
    %dma_start3A_16 = tpu.memref_slice %arg2[%dma_start3A_14, %dma_start3A_15] : memref<1000000x128xf32, #tpu.memory_space<hbm>> -> memref<1000000x128xf32, #tpu.memory_space<hbm>>
    %dma_start3A_17 = tpu.memref_slice %arg7[%dma_start3A_8] : memref<4x!tpu.dma_semaphore, #tpu.memory_space<semaphore_mem>> -> memref<1x!tpu.dma_semaphore, #tpu.memory_space<semaphore_mem>>
    %dma_start3A_18 = tpu.memref_squeeze %dma_start3A_17 : memref<1x!tpu.dma_semaphore, #tpu.memory_space<semaphore_mem>> -> memref<!tpu.dma_semaphore, #tpu.memory_space<semaphore_mem>>
    tpu.enqueue_indirect_dma source(%dma_start3A_16 : memref<1000000x128xf32, #tpu.memory_space<hbm>>) target(%dma_start3A_12 : memref<104x128xf32, #tpu.memory_space<vmem>>) offsets(%dma_start3A_13 : memref<104xi32, #tpu.memory_space<vmem>>) semaphore(%dma_start3A_18 : memref<!tpu.dma_semaphore, #tpu.memory_space<semaphore_mem>>)
    %multiple_of3A_19 = arith.constant 104 : i32
    %multiple_of3A_20 = tpu.assume_multiple %multiple_of3A_19, 8 : i32
    %dma_start3A_21 = arith.constant 1 : i32
    %dma_start3A_22 = arith.constant 1 : i32
    %dma_start3A_23 = arith.constant 0 : i32
    %dma_start3A_24 = arith.constant 0 : i32
    %dma_start3A_25 = tpu.memref_slice %arg6[%dma_start3A_21, %dma_start3A_23, %dma_start3A_24] : memref<4x104x128xf32, #tpu.memory_space<vmem>> -> memref<1x104x128xf32, #tpu.memory_space<vmem>>
    %dma_start3A_26 = tpu.memref_squeeze %dma_start3A_25 : memref<1x104x128xf32, #tpu.memory_space<vmem>> -> memref<104x128xf32, #tpu.memory_space<vmem>>
    %dma_start3A_27 = tpu.memref_slice %arg5[%multiple_of3A_20] : memref<13312xi32, #tpu.memory_space<vmem>> -> memref<104xi32, #tpu.memory_space<vmem>>
    %dma_start3A_28 = arith.constant 0 : i32
    %dma_start3A_29 = arith.constant 0 : i32
    %dma_start3A_30 = tpu.memref_slice %arg2[%dma_start3A_28, %dma_start3A_29] : memref<1000000x128xf32, #tpu.memory_space<hbm>> -> memref<1000000x128xf32, #tpu.memory_space<hbm>>
    %dma_start3A_31 = tpu.memref_slice %arg7[%dma_start3A_22] : memref<4x!tpu.dma_semaphore, #tpu.memory_space<semaphore_mem>> -> memref<1x!tpu.dma_semaphore, #tpu.memory_space<semaphore_mem>>
    %dma_start3A_32 = tpu.memref_squeeze %dma_start3A_31 : memref<1x!tpu.dma_semaphore, #tpu.memory_space<semaphore_mem>> -> memref<!tpu.dma_semaphore, #tpu.memory_space<semaphore_mem>>
    tpu.enqueue_indirect_dma source(%dma_start3A_30 : memref<1000000x128xf32, #tpu.memory_space<hbm>>) target(%dma_start3A_26 : memref<104x128xf32, #tpu.memory_space<vmem>>) offsets(%dma_start3A_27 : memref<104xi32, #tpu.memory_space<vmem>>) semaphore(%dma_start3A_32 : memref<!tpu.dma_semaphore, #tpu.memory_space<semaphore_mem>>)
    %multiple_of3A_33 = arith.constant 208 : i32
    %multiple_of3A_34 = tpu.assume_multiple %multiple_of3A_33, 8 : i32
    %dma_start3A_35 = arith.constant 2 : i32
    %dma_start3A_36 = arith.constant 2 : i32
    %dma_start3A_37 = arith.constant 0 : i32
    %dma_start3A_38 = arith.constant 0 : i32
    %dma_start3A_39 = tpu.memref_slice %arg6[%dma_start3A_35, %dma_start3A_37, %dma_start3A_38] : memref<4x104x128xf32, #tpu.memory_space<vmem>> -> memref<1x104x128xf32, #tpu.memory_space<vmem>>
    %dma_start3A_40 = tpu.memref_squeeze %dma_start3A_39 : memref<1x104x128xf32, #tpu.memory_space<vmem>> -> memref<104x128xf32, #tpu.memory_space<vmem>>
    %dma_start3A_41 = tpu.memref_slice %arg5[%multiple_of3A_34] : memref<13312xi32, #tpu.memory_space<vmem>> -> memref<104xi32, #tpu.memory_space<vmem>>
    %dma_start3A_42 = arith.constant 0 : i32
    %dma_start3A_43 = arith.constant 0 : i32
    %dma_start3A_44 = tpu.memref_slice %arg2[%dma_start3A_42, %dma_start3A_43] : memref<1000000x128xf32, #tpu.memory_space<hbm>> -> memref<1000000x128xf32, #tpu.memory_space<hbm>>
    %dma_start3A_45 = tpu.memref_slice %arg7[%dma_start3A_36] : memref<4x!tpu.dma_semaphore, #tpu.memory_space<semaphore_mem>> -> memref<1x!tpu.dma_semaphore, #tpu.memory_space<semaphore_mem>>
    %dma_start3A_46 = tpu.memref_squeeze %dma_start3A_45 : memref<1x!tpu.dma_semaphore, #tpu.memory_space<semaphore_mem>> -> memref<!tpu.dma_semaphore, #tpu.memory_space<semaphore_mem>>
    tpu.enqueue_indirect_dma source(%dma_start3A_44 : memref<1000000x128xf32, #tpu.memory_space<hbm>>) target(%dma_start3A_40 : memref<104x128xf32, #tpu.memory_space<vmem>>) offsets(%dma_start3A_41 : memref<104xi32, #tpu.memory_space<vmem>>) semaphore(%dma_start3A_46 : memref<!tpu.dma_semaphore, #tpu.memory_space<semaphore_mem>>)
    %multiple_of3A_47 = arith.constant 312 : i32
    %multiple_of3A_48 = tpu.assume_multiple %multiple_of3A_47, 8 : i32
    %dma_start3A_49 = arith.constant 3 : i32
    %dma_start3A_50 = arith.constant 3 : i32
    %dma_start3A_51 = arith.constant 0 : i32
    %dma_start3A_52 = arith.constant 0 : i32
    %dma_start3A_53 = tpu.memref_slice %arg6[%dma_start3A_49, %dma_start3A_51, %dma_start3A_52] : memref<4x104x128xf32, #tpu.memory_space<vmem>> -> memref<1x104x128xf32, #tpu.memory_space<vmem>>
    %dma_start3A_54 = tpu.memref_squeeze %dma_start3A_53 : memref<1x104x128xf32, #tpu.memory_space<vmem>> -> memref<104x128xf32, #tpu.memory_space<vmem>>
    %dma_start3A_55 = tpu.memref_slice %arg5[%multiple_of3A_48] : memref<13312xi32, #tpu.memory_space<vmem>> -> memref<104xi32, #tpu.memory_space<vmem>>
    %dma_start3A_56 = arith.constant 0 : i32
    %dma_start3A_57 = arith.constant 0 : i32
    %dma_start3A_58 = tpu.memref_slice %arg2[%dma_start3A_56, %dma_start3A_57] : memref<1000000x128xf32, #tpu.memory_space<hbm>> -> memref<1000000x128xf32, #tpu.memory_space<hbm>>
    %dma_start3A_59 = tpu.memref_slice %arg7[%dma_start3A_50] : memref<4x!tpu.dma_semaphore, #tpu.memory_space<semaphore_mem>> -> memref<1x!tpu.dma_semaphore, #tpu.memory_space<semaphore_mem>>
    %dma_start3A_60 = tpu.memref_squeeze %dma_start3A_59 : memref<1x!tpu.dma_semaphore, #tpu.memory_space<semaphore_mem>> -> memref<!tpu.dma_semaphore, #tpu.memory_space<semaphore_mem>>
    tpu.enqueue_indirect_dma source(%dma_start3A_58 : memref<1000000x128xf32, #tpu.memory_space<hbm>>) target(%dma_start3A_54 : memref<104x128xf32, #tpu.memory_space<vmem>>) offsets(%dma_start3A_55 : memref<104xi32, #tpu.memory_space<vmem>>) semaphore(%dma_start3A_60 : memref<!tpu.dma_semaphore, #tpu.memory_space<semaphore_mem>>)
    %scan3A = arith.constant 0 : i32
    %scan3A_61 = arith.constant 31 : i32
    %scan3A_62 = arith.addi %scan3A, %scan3A_61 : i32
    %scan3A_63 = arith.constant 1 : i32
    scf.for %scan3A_284 = %scan3A to %scan3A_62 step %scan3A_63  : i32 {
      %mul3A_285 = arith.constant 1 : i32
      %mul3A_286 = arith.muli %scan3A_284, %mul3A_285 : i32
      %add3A_287 = arith.constant 0 : i32
      %add3A_288 = arith.addi %add3A_287, %mul3A_286 : i32
      %mul3A_289 = arith.constant 4 : i32
      %mul3A_290 = arith.muli %add3A_288, %mul3A_289 : i32
      %dma_wait3A_291 = arith.constant 0 : i32
      %dma_wait3A_292 = arith.constant 0 : i32
      %dma_wait3A_293 = arith.constant 0 : i32
      %dma_wait3A_294 = arith.constant 0 : i32
      %dma_wait3A_295 = tpu.memref_slice %arg6[%dma_wait3A_291, %dma_wait3A_293, %dma_wait3A_294] : memref<4x104x128xf32, #tpu.memory_space<vmem>> -> memref<1x104x128xf32, #tpu.memory_space<vmem>>
      %dma_wait3A_296 = tpu.memref_squeeze %dma_wait3A_295 : memref<1x104x128xf32, #tpu.memory_space<vmem>> -> memref<104x128xf32, #tpu.memory_space<vmem>>
      %dma_wait3A_297 = arith.constant 0 : i32
      %dma_wait3A_298 = tpu.memref_slice %arg5[%dma_wait3A_297] : memref<13312xi32, #tpu.memory_space<vmem>> -> memref<104xi32, #tpu.memory_space<vmem>>
      %dma_wait3A_299 = arith.constant 0 : i32
      %dma_wait3A_300 = arith.constant 0 : i32
      %dma_wait3A_301 = tpu.memref_slice %arg2[%dma_wait3A_299, %dma_wait3A_300] : memref<1000000x128xf32, #tpu.memory_space<hbm>> -> memref<1000000x128xf32, #tpu.memory_space<hbm>>
      %dma_wait3A_302 = tpu.memref_slice %arg7[%dma_wait3A_292] : memref<4x!tpu.dma_semaphore, #tpu.memory_space<semaphore_mem>> -> memref<1x!tpu.dma_semaphore, #tpu.memory_space<semaphore_mem>>
      %dma_wait3A_303 = tpu.memref_squeeze %dma_wait3A_302 : memref<1x!tpu.dma_semaphore, #tpu.memory_space<semaphore_mem>> -> memref<!tpu.dma_semaphore, #tpu.memory_space<semaphore_mem>>
      tpu.wait_indirect_dma semaphore(%dma_wait3A_303 : memref<!tpu.dma_semaphore, #tpu.memory_space<semaphore_mem>>) src(%dma_wait3A_301 : memref<1000000x128xf32, #tpu.memory_space<hbm>>) dst(%dma_wait3A_296 : memref<104x128xf32, #tpu.memory_space<vmem>>)
      %add3A_304 = arith.constant 0 : i32
      %add3A_305 = arith.addi %mul3A_290, %add3A_304 : i32
      %mul3A_306 = arith.constant 4 : i32
      %mul3A_307 = arith.muli %add3A_305, %mul3A_306 : i32
      %add3A_308 = arith.addi %mul3A_6, %mul3A_307 : i32
      %dma_start3A_309 = arith.constant 0 : i32
      %dma_start3A_310 = arith.constant 0 : i32
      %dma_start3A_311 = arith.constant 0 : i32
      %dma_start3A_312 = arith.constant 0 : i32
      %dma_start3A_313 = tpu.memref_slice %arg6[%dma_start3A_309, %dma_start3A_311, %dma_start3A_312] : memref<4x104x128xf32, #tpu.memory_space<vmem>> -> memref<1x104x128xf32, #tpu.memory_space<vmem>>
      %dma_start3A_314 = tpu.memref_squeeze %dma_start3A_313 : memref<1x104x128xf32, #tpu.memory_space<vmem>> -> memref<104x128xf32, #tpu.memory_space<vmem>>
      %dma_start3A_315 = tpu.memref_reshape %dma_start3A_314 : memref<104x128xf32, #tpu.memory_space<vmem>> -> memref<4x26x128xf32, #tpu.memory_space<vmem>>
      %dma_start3A_316 = arith.constant 0 : i32
      %dma_start3A_317 = arith.constant 0 : i32
      %dma_start3A_318 = tpu.memref_slice %arg4[%add3A_308, %dma_start3A_316, %dma_start3A_317] : memref<16384x26x128xf32, #tpu.memory_space<hbm>> -> memref<4x26x128xf32, #tpu.memory_space<hbm>>
      %dma_start3A_319 = tpu.memref_slice %arg8[%dma_start3A_310] : memref<4x!tpu.dma_semaphore, #tpu.memory_space<semaphore_mem>> -> memref<1x!tpu.dma_semaphore, #tpu.memory_space<semaphore_mem>>
      %dma_start3A_320 = tpu.memref_squeeze %dma_start3A_319 : memref<1x!tpu.dma_semaphore, #tpu.memory_space<semaphore_mem>> -> memref<!tpu.dma_semaphore, #tpu.memory_space<semaphore_mem>>
      %dma_start3A_321 = arith.constant 0 : i32
      %dma_start3A_322 = arith.constant 0 : i32
      %dma_start3A_323 = tpu.memref_slice %arg4[%add3A_308, %dma_start3A_321, %dma_start3A_322] : memref<16384x26x128xf32, #tpu.memory_space<hbm>> -> memref<4x26x128xf32, #tpu.memory_space<hbm>>
      %dma_start3A_324 = arith.constant 0 : i32
      %dma_start3A_325 = arith.constant 0 : i32
      %dma_start3A_326 = tpu.memref_slice %arg6[%dma_start3A_309, %dma_start3A_324, %dma_start3A_325] : memref<4x104x128xf32, #tpu.memory_space<vmem>> -> memref<1x104x128xf32, #tpu.memory_space<vmem>>
      %dma_start3A_327 = tpu.memref_squeeze %dma_start3A_326 : memref<1x104x128xf32, #tpu.memory_space<vmem>> -> memref<104x128xf32, #tpu.memory_space<vmem>>
      %dma_start3A_328 = tpu.memref_reshape %dma_start3A_327 : memref<104x128xf32, #tpu.memory_space<vmem>> -> memref<4x26x128xf32, #tpu.memory_space<vmem>>
      tpu.enqueue_dma source(%dma_start3A_328 : memref<4x26x128xf32, #tpu.memory_space<vmem>>) target(%dma_start3A_323 : memref<4x26x128xf32, #tpu.memory_space<hbm>>) target_semaphore(%dma_start3A_320 : memref<!tpu.dma_semaphore, #tpu.memory_space<semaphore_mem>>)
      %dma_wait3A_329 = arith.constant 1 : i32
      %dma_wait3A_330 = arith.constant 1 : i32
      %dma_wait3A_331 = arith.constant 0 : i32
      %dma_wait3A_332 = arith.constant 0 : i32
      %dma_wait3A_333 = tpu.memref_slice %arg6[%dma_wait3A_329, %dma_wait3A_331, %dma_wait3A_332] : memref<4x104x128xf32, #tpu.memory_space<vmem>> -> memref<1x104x128xf32, #tpu.memory_space<vmem>>
      %dma_wait3A_334 = tpu.memref_squeeze %dma_wait3A_333 : memref<1x104x128xf32, #tpu.memory_space<vmem>> -> memref<104x128xf32, #tpu.memory_space<vmem>>
      %dma_wait3A_335 = arith.constant 0 : i32
      %dma_wait3A_336 = tpu.memref_slice %arg5[%dma_wait3A_335] : memref<13312xi32, #tpu.memory_space<vmem>> -> memref<104xi32, #tpu.memory_space<vmem>>
      %dma_wait3A_337 = arith.constant 0 : i32
      %dma_wait3A_338 = arith.constant 0 : i32
      %dma_wait3A_339 = tpu.memref_slice %arg2[%dma_wait3A_337, %dma_wait3A_338] : memref<1000000x128xf32, #tpu.memory_space<hbm>> -> memref<1000000x128xf32, #tpu.memory_space<hbm>>
      %dma_wait3A_340 = tpu.memref_slice %arg7[%dma_wait3A_330] : memref<4x!tpu.dma_semaphore, #tpu.memory_space<semaphore_mem>> -> memref<1x!tpu.dma_semaphore, #tpu.memory_space<semaphore_mem>>
      %dma_wait3A_341 = tpu.memref_squeeze %dma_wait3A_340 : memref<1x!tpu.dma_semaphore, #tpu.memory_space<semaphore_mem>> -> memref<!tpu.dma_semaphore, #tpu.memory_space<semaphore_mem>>
      tpu.wait_indirect_dma semaphore(%dma_wait3A_341 : memref<!tpu.dma_semaphore, #tpu.memory_space<semaphore_mem>>) src(%dma_wait3A_339 : memref<1000000x128xf32, #tpu.memory_space<hbm>>) dst(%dma_wait3A_334 : memref<104x128xf32, #tpu.memory_space<vmem>>)
      %add3A_342 = arith.constant 1 : i32
      %add3A_343 = arith.addi %mul3A_290, %add3A_342 : i32
      %mul3A_344 = arith.constant 4 : i32
      %mul3A_345 = arith.muli %add3A_343, %mul3A_344 : i32
      %add3A_346 = arith.addi %mul3A_6, %mul3A_345 : i32
      %dma_start3A_347 = arith.constant 1 : i32
      %dma_start3A_348 = arith.constant 1 : i32
      %dma_start3A_349 = arith.constant 0 : i32
      %dma_start3A_350 = arith.constant 0 : i32
      %dma_start3A_351 = tpu.memref_slice %arg6[%dma_start3A_347, %dma_start3A_349, %dma_start3A_350] : memref<4x104x128xf32, #tpu.memory_space<vmem>> -> memref<1x104x128xf32, #tpu.memory_space<vmem>>
      %dma_start3A_352 = tpu.memref_squeeze %dma_start3A_351 : memref<1x104x128xf32, #tpu.memory_space<vmem>> -> memref<104x128xf32, #tpu.memory_space<vmem>>
      %dma_start3A_353 = tpu.memref_reshape %dma_start3A_352 : memref<104x128xf32, #tpu.memory_space<vmem>> -> memref<4x26x128xf32, #tpu.memory_space<vmem>>
      %dma_start3A_354 = arith.constant 0 : i32
      %dma_start3A_355 = arith.constant 0 : i32
      %dma_start3A_356 = tpu.memref_slice %arg4[%add3A_346, %dma_start3A_354, %dma_start3A_355] : memref<16384x26x128xf32, #tpu.memory_space<hbm>> -> memref<4x26x128xf32, #tpu.memory_space<hbm>>
      %dma_start3A_357 = tpu.memref_slice %arg8[%dma_start3A_348] : memref<4x!tpu.dma_semaphore, #tpu.memory_space<semaphore_mem>> -> memref<1x!tpu.dma_semaphore, #tpu.memory_space<semaphore_mem>>
      %dma_start3A_358 = tpu.memref_squeeze %dma_start3A_357 : memref<1x!tpu.dma_semaphore, #tpu.memory_space<semaphore_mem>> -> memref<!tpu.dma_semaphore, #tpu.memory_space<semaphore_mem>>
      %dma_start3A_359 = arith.constant 0 : i32
      %dma_start3A_360 = arith.constant 0 : i32
      %dma_start3A_361 = tpu.memref_slice %arg4[%add3A_346, %dma_start3A_359, %dma_start3A_360] : memref<16384x26x128xf32, #tpu.memory_space<hbm>> -> memref<4x26x128xf32, #tpu.memory_space<hbm>>
      %dma_start3A_362 = arith.constant 0 : i32
      %dma_start3A_363 = arith.constant 0 : i32
      %dma_start3A_364 = tpu.memref_slice %arg6[%dma_start3A_347, %dma_start3A_362, %dma_start3A_363] : memref<4x104x128xf32, #tpu.memory_space<vmem>> -> memref<1x104x128xf32, #tpu.memory_space<vmem>>
      %dma_start3A_365 = tpu.memref_squeeze %dma_start3A_364 : memref<1x104x128xf32, #tpu.memory_space<vmem>> -> memref<104x128xf32, #tpu.memory_space<vmem>>
      %dma_start3A_366 = tpu.memref_reshape %dma_start3A_365 : memref<104x128xf32, #tpu.memory_space<vmem>> -> memref<4x26x128xf32, #tpu.memory_space<vmem>>
      tpu.enqueue_dma source(%dma_start3A_366 : memref<4x26x128xf32, #tpu.memory_space<vmem>>) target(%dma_start3A_361 : memref<4x26x128xf32, #tpu.memory_space<hbm>>) target_semaphore(%dma_start3A_358 : memref<!tpu.dma_semaphore, #tpu.memory_space<semaphore_mem>>)
      %dma_wait3A_367 = arith.constant 2 : i32
      %dma_wait3A_368 = arith.constant 2 : i32
      %dma_wait3A_369 = arith.constant 0 : i32
      %dma_wait3A_370 = arith.constant 0 : i32
      %dma_wait3A_371 = tpu.memref_slice %arg6[%dma_wait3A_367, %dma_wait3A_369, %dma_wait3A_370] : memref<4x104x128xf32, #tpu.memory_space<vmem>> -> memref<1x104x128xf32, #tpu.memory_space<vmem>>
      %dma_wait3A_372 = tpu.memref_squeeze %dma_wait3A_371 : memref<1x104x128xf32, #tpu.memory_space<vmem>> -> memref<104x128xf32, #tpu.memory_space<vmem>>
      %dma_wait3A_373 = arith.constant 0 : i32
      %dma_wait3A_374 = tpu.memref_slice %arg5[%dma_wait3A_373] : memref<13312xi32, #tpu.memory_space<vmem>> -> memref<104xi32, #tpu.memory_space<vmem>>
      %dma_wait3A_375 = arith.constant 0 : i32
      %dma_wait3A_376 = arith.constant 0 : i32
      %dma_wait3A_377 = tpu.memref_slice %arg2[%dma_wait3A_375, %dma_wait3A_376] : memref<1000000x128xf32, #tpu.memory_space<hbm>> -> memref<1000000x128xf32, #tpu.memory_space<hbm>>
      %dma_wait3A_378 = tpu.memref_slice %arg7[%dma_wait3A_368] : memref<4x!tpu.dma_semaphore, #tpu.memory_space<semaphore_mem>> -> memref<1x!tpu.dma_semaphore, #tpu.memory_space<semaphore_mem>>
      %dma_wait3A_379 = tpu.memref_squeeze %dma_wait3A_378 : memref<1x!tpu.dma_semaphore, #tpu.memory_space<semaphore_mem>> -> memref<!tpu.dma_semaphore, #tpu.memory_space<semaphore_mem>>
      tpu.wait_indirect_dma semaphore(%dma_wait3A_379 : memref<!tpu.dma_semaphore, #tpu.memory_space<semaphore_mem>>) src(%dma_wait3A_377 : memref<1000000x128xf32, #tpu.memory_space<hbm>>) dst(%dma_wait3A_372 : memref<104x128xf32, #tpu.memory_space<vmem>>)
      %add3A_380 = arith.constant 2 : i32
      %add3A_381 = arith.addi %mul3A_290, %add3A_380 : i32
      %mul3A_382 = arith.constant 4 : i32
      %mul3A_383 = arith.muli %add3A_381, %mul3A_382 : i32
      %add3A_384 = arith.addi %mul3A_6, %mul3A_383 : i32
      %dma_start3A_385 = arith.constant 2 : i32
      %dma_start3A_386 = arith.constant 2 : i32
      %dma_start3A_387 = arith.constant 0 : i32
      %dma_start3A_388 = arith.constant 0 : i32
      %dma_start3A_389 = tpu.memref_slice %arg6[%dma_start3A_385, %dma_start3A_387, %dma_start3A_388] : memref<4x104x128xf32, #tpu.memory_space<vmem>> -> memref<1x104x128xf32, #tpu.memory_space<vmem>>
      %dma_start3A_390 = tpu.memref_squeeze %dma_start3A_389 : memref<1x104x128xf32, #tpu.memory_space<vmem>> -> memref<104x128xf32, #tpu.memory_space<vmem>>
      %dma_start3A_391 = tpu.memref_reshape %dma_start3A_390 : memref<104x128xf32, #tpu.memory_space<vmem>> -> memref<4x26x128xf32, #tpu.memory_space<vmem>>
      %dma_start3A_392 = arith.constant 0 : i32
      %dma_start3A_393 = arith.constant 0 : i32
      %dma_start3A_394 = tpu.memref_slice %arg4[%add3A_384, %dma_start3A_392, %dma_start3A_393] : memref<16384x26x128xf32, #tpu.memory_space<hbm>> -> memref<4x26x128xf32, #tpu.memory_space<hbm>>
      %dma_start3A_395 = tpu.memref_slice %arg8[%dma_start3A_386] : memref<4x!tpu.dma_semaphore, #tpu.memory_space<semaphore_mem>> -> memref<1x!tpu.dma_semaphore, #tpu.memory_space<semaphore_mem>>
      %dma_start3A_396 = tpu.memref_squeeze %dma_start3A_395 : memref<1x!tpu.dma_semaphore, #tpu.memory_space<semaphore_mem>> -> memref<!tpu.dma_semaphore, #tpu.memory_space<semaphore_mem>>
      %dma_start3A_397 = arith.constant 0 : i32
      %dma_start3A_398 = arith.constant 0 : i32
      %dma_start3A_399 = tpu.memref_slice %arg4[%add3A_384, %dma_start3A_397, %dma_start3A_398] : memref<16384x26x128xf32, #tpu.memory_space<hbm>> -> memref<4x26x128xf32, #tpu.memory_space<hbm>>
      %dma_start3A_400 = arith.constant 0 : i32
      %dma_start3A_401 = arith.constant 0 : i32
      %dma_start3A_402 = tpu.memref_slice %arg6[%dma_start3A_385, %dma_start3A_400, %dma_start3A_401] : memref<4x104x128xf32, #tpu.memory_space<vmem>> -> memref<1x104x128xf32, #tpu.memory_space<vmem>>
      %dma_start3A_403 = tpu.memref_squeeze %dma_start3A_402 : memref<1x104x128xf32, #tpu.memory_space<vmem>> -> memref<104x128xf32, #tpu.memory_space<vmem>>
      %dma_start3A_404 = tpu.memref_reshape %dma_start3A_403 : memref<104x128xf32, #tpu.memory_space<vmem>> -> memref<4x26x128xf32, #tpu.memory_space<vmem>>
      tpu.enqueue_dma source(%dma_start3A_404 : memref<4x26x128xf32, #tpu.memory_space<vmem>>) target(%dma_start3A_399 : memref<4x26x128xf32, #tpu.memory_space<hbm>>) target_semaphore(%dma_start3A_396 : memref<!tpu.dma_semaphore, #tpu.memory_space<semaphore_mem>>)
      %dma_wait3A_405 = arith.constant 3 : i32
      %dma_wait3A_406 = arith.constant 3 : i32
      %dma_wait3A_407 = arith.constant 0 : i32
      %dma_wait3A_408 = arith.constant 0 : i32
      %dma_wait3A_409 = tpu.memref_slice %arg6[%dma_wait3A_405, %dma_wait3A_407, %dma_wait3A_408] : memref<4x104x128xf32, #tpu.memory_space<vmem>> -> memref<1x104x128xf32, #tpu.memory_space<vmem>>
      %dma_wait3A_410 = tpu.memref_squeeze %dma_wait3A_409 : memref<1x104x128xf32, #tpu.memory_space<vmem>> -> memref<104x128xf32, #tpu.memory_space<vmem>>
      %dma_wait3A_411 = arith.constant 0 : i32
      %dma_wait3A_412 = tpu.memref_slice %arg5[%dma_wait3A_411] : memref<13312xi32, #tpu.memory_space<vmem>> -> memref<104xi32, #tpu.memory_space<vmem>>
      %dma_wait3A_413 = arith.constant 0 : i32
      %dma_wait3A_414 = arith.constant 0 : i32
      %dma_wait3A_415 = tpu.memref_slice %arg2[%dma_wait3A_413, %dma_wait3A_414] : memref<1000000x128xf32, #tpu.memory_space<hbm>> -> memref<1000000x128xf32, #tpu.memory_space<hbm>>
      %dma_wait3A_416 = tpu.memref_slice %arg7[%dma_wait3A_406] : memref<4x!tpu.dma_semaphore, #tpu.memory_space<semaphore_mem>> -> memref<1x!tpu.dma_semaphore, #tpu.memory_space<semaphore_mem>>
      %dma_wait3A_417 = tpu.memref_squeeze %dma_wait3A_416 : memref<1x!tpu.dma_semaphore, #tpu.memory_space<semaphore_mem>> -> memref<!tpu.dma_semaphore, #tpu.memory_space<semaphore_mem>>
      tpu.wait_indirect_dma semaphore(%dma_wait3A_417 : memref<!tpu.dma_semaphore, #tpu.memory_space<semaphore_mem>>) src(%dma_wait3A_415 : memref<1000000x128xf32, #tpu.memory_space<hbm>>) dst(%dma_wait3A_410 : memref<104x128xf32, #tpu.memory_space<vmem>>)
      %add3A_418 = arith.constant 3 : i32
      %add3A_419 = arith.addi %mul3A_290, %add3A_418 : i32
      %mul3A_420 = arith.constant 4 : i32
      %mul3A_421 = arith.muli %add3A_419, %mul3A_420 : i32
      %add3A_422 = arith.addi %mul3A_6, %mul3A_421 : i32
      %dma_start3A_423 = arith.constant 3 : i32
      %dma_start3A_424 = arith.constant 3 : i32
      %dma_start3A_425 = arith.constant 0 : i32
      %dma_start3A_426 = arith.constant 0 : i32
      %dma_start3A_427 = tpu.memref_slice %arg6[%dma_start3A_423, %dma_start3A_425, %dma_start3A_426] : memref<4x104x128xf32, #tpu.memory_space<vmem>> -> memref<1x104x128xf32, #tpu.memory_space<vmem>>
      %dma_start3A_428 = tpu.memref_squeeze %dma_start3A_427 : memref<1x104x128xf32, #tpu.memory_space<vmem>> -> memref<104x128xf32, #tpu.memory_space<vmem>>
      %dma_start3A_429 = tpu.memref_reshape %dma_start3A_428 : memref<104x128xf32, #tpu.memory_space<vmem>> -> memref<4x26x128xf32, #tpu.memory_space<vmem>>
      %dma_start3A_430 = arith.constant 0 : i32
      %dma_start3A_431 = arith.constant 0 : i32
      %dma_start3A_432 = tpu.memref_slice %arg4[%add3A_422, %dma_start3A_430, %dma_start3A_431] : memref<16384x26x128xf32, #tpu.memory_space<hbm>> -> memref<4x26x128xf32, #tpu.memory_space<hbm>>
      %dma_start3A_433 = tpu.memref_slice %arg8[%dma_start3A_424] : memref<4x!tpu.dma_semaphore, #tpu.memory_space<semaphore_mem>> -> memref<1x!tpu.dma_semaphore, #tpu.memory_space<semaphore_mem>>
      %dma_start3A_434 = tpu.memref_squeeze %dma_start3A_433 : memref<1x!tpu.dma_semaphore, #tpu.memory_space<semaphore_mem>> -> memref<!tpu.dma_semaphore, #tpu.memory_space<semaphore_mem>>
      %dma_start3A_435 = arith.constant 0 : i32
      %dma_start3A_436 = arith.constant 0 : i32
      %dma_start3A_437 = tpu.memref_slice %arg4[%add3A_422, %dma_start3A_435, %dma_start3A_436] : memref<16384x26x128xf32, #tpu.memory_space<hbm>> -> memref<4x26x128xf32, #tpu.memory_space<hbm>>
      %dma_start3A_438 = arith.constant 0 : i32
      %dma_start3A_439 = arith.constant 0 : i32
      %dma_start3A_440 = tpu.memref_slice %arg6[%dma_start3A_423, %dma_start3A_438, %dma_start3A_439] : memref<4x104x128xf32, #tpu.memory_space<vmem>> -> memref<1x104x128xf32, #tpu.memory_space<vmem>>
      %dma_start3A_441 = tpu.memref_squeeze %dma_start3A_440 : memref<1x104x128xf32, #tpu.memory_space<vmem>> -> memref<104x128xf32, #tpu.memory_space<vmem>>
      %dma_start3A_442 = tpu.memref_reshape %dma_start3A_441 : memref<104x128xf32, #tpu.memory_space<vmem>> -> memref<4x26x128xf32, #tpu.memory_space<vmem>>
      tpu.enqueue_dma source(%dma_start3A_442 : memref<4x26x128xf32, #tpu.memory_space<vmem>>) target(%dma_start3A_437 : memref<4x26x128xf32, #tpu.memory_space<hbm>>) target_semaphore(%dma_start3A_434 : memref<!tpu.dma_semaphore, #tpu.memory_space<semaphore_mem>>)
      %dma_wait3A_443 = arith.constant 0 : i32
      %dma_wait3A_444 = arith.constant 0 : i32
      %dma_wait3A_445 = arith.constant 0 : i32
      %dma_wait3A_446 = arith.constant 0 : i32
      %dma_wait3A_447 = tpu.memref_slice %arg6[%dma_wait3A_443, %dma_wait3A_445, %dma_wait3A_446] : memref<4x104x128xf32, #tpu.memory_space<vmem>> -> memref<1x104x128xf32, #tpu.memory_space<vmem>>
      %dma_wait3A_448 = tpu.memref_squeeze %dma_wait3A_447 : memref<1x104x128xf32, #tpu.memory_space<vmem>> -> memref<104x128xf32, #tpu.memory_space<vmem>>
      %dma_wait3A_449 = tpu.memref_reshape %dma_wait3A_448 : memref<104x128xf32, #tpu.memory_space<vmem>> -> memref<4x26x128xf32, #tpu.memory_space<vmem>>
      %dma_wait3A_450 = arith.constant 0 : i32
      %dma_wait3A_451 = arith.constant 0 : i32
      %dma_wait3A_452 = tpu.memref_slice %arg4[%mul3A_6, %dma_wait3A_450, %dma_wait3A_451] : memref<16384x26x128xf32, #tpu.memory_space<hbm>> -> memref<4x26x128xf32, #tpu.memory_space<hbm>>
      %dma_wait3A_453 = tpu.memref_slice %arg8[%dma_wait3A_444] : memref<4x!tpu.dma_semaphore, #tpu.memory_space<semaphore_mem>> -> memref<1x!tpu.dma_semaphore, #tpu.memory_space<semaphore_mem>>
      %dma_wait3A_454 = tpu.memref_squeeze %dma_wait3A_453 : memref<1x!tpu.dma_semaphore, #tpu.memory_space<semaphore_mem>> -> memref<!tpu.dma_semaphore, #tpu.memory_space<semaphore_mem>>
      %dma_wait3A_455 = arith.constant 0 : i32
      %dma_wait3A_456 = arith.constant 0 : i32
      %dma_wait3A_457 = tpu.memref_slice %arg4[%mul3A_6, %dma_wait3A_455, %dma_wait3A_456] : memref<16384x26x128xf32, #tpu.memory_space<hbm>> -> memref<4x26x128xf32, #tpu.memory_space<hbm>>
      %dma_wait3A_458 = arith.constant 0 : i32
      %dma_wait3A_459 = arith.constant 0 : i32
      %dma_wait3A_460 = tpu.memref_slice %arg6[%dma_wait3A_443, %dma_wait3A_458, %dma_wait3A_459] : memref<4x104x128xf32, #tpu.memory_space<vmem>> -> memref<1x104x128xf32, #tpu.memory_space<vmem>>
      %dma_wait3A_461 = tpu.memref_squeeze %dma_wait3A_460 : memref<1x104x128xf32, #tpu.memory_space<vmem>> -> memref<104x128xf32, #tpu.memory_space<vmem>>
      %dma_wait3A_462 = tpu.memref_reshape %dma_wait3A_461 : memref<104x128xf32, #tpu.memory_space<vmem>> -> memref<4x26x128xf32, #tpu.memory_space<vmem>>
      tpu.wait_dma2 semaphore(%dma_wait3A_454 : memref<!tpu.dma_semaphore, #tpu.memory_space<semaphore_mem>>) src(%dma_wait3A_462 : memref<4x26x128xf32, #tpu.memory_space<vmem>>) dst(%dma_wait3A_457 : memref<4x26x128xf32, #tpu.memory_space<hbm>>)
      %add3A_463 = arith.constant 4 : i32
      %add3A_464 = arith.addi %mul3A_290, %add3A_463 : i32
      %add3A_465 = arith.constant 0 : i32
      %add3A_466 = arith.addi %add3A_464, %add3A_465 : i32
      %mul3A_467 = arith.constant 104 : i32
      %mul3A_468 = arith.muli %add3A_466, %mul3A_467 : i32
      %multiple_of3A_469 = tpu.assume_multiple %mul3A_468, 8 : i32
      %dma_start3A_470 = arith.constant 0 : i32
      %dma_start3A_471 = arith.constant 0 : i32
      %dma_start3A_472 = arith.constant 0 : i32
      %dma_start3A_473 = arith.constant 0 : i32
      %dma_start3A_474 = tpu.memref_slice %arg6[%dma_start3A_470, %dma_start3A_472, %dma_start3A_473] : memref<4x104x128xf32, #tpu.memory_space<vmem>> -> memref<1x104x128xf32, #tpu.memory_space<vmem>>
      %dma_start3A_475 = tpu.memref_squeeze %dma_start3A_474 : memref<1x104x128xf32, #tpu.memory_space<vmem>> -> memref<104x128xf32, #tpu.memory_space<vmem>>
      %dma_start3A_476 = tpu.memref_slice %arg5[%multiple_of3A_469] : memref<13312xi32, #tpu.memory_space<vmem>> -> memref<104xi32, #tpu.memory_space<vmem>>
      %dma_start3A_477 = arith.constant 0 : i32
      %dma_start3A_478 = arith.constant 0 : i32
      %dma_start3A_479 = tpu.memref_slice %arg2[%dma_start3A_477, %dma_start3A_478] : memref<1000000x128xf32, #tpu.memory_space<hbm>> -> memref<1000000x128xf32, #tpu.memory_space<hbm>>
      %dma_start3A_480 = tpu.memref_slice %arg7[%dma_start3A_471] : memref<4x!tpu.dma_semaphore, #tpu.memory_space<semaphore_mem>> -> memref<1x!tpu.dma_semaphore, #tpu.memory_space<semaphore_mem>>
      %dma_start3A_481 = tpu.memref_squeeze %dma_start3A_480 : memref<1x!tpu.dma_semaphore, #tpu.memory_space<semaphore_mem>> -> memref<!tpu.dma_semaphore, #tpu.memory_space<semaphore_mem>>
      tpu.enqueue_indirect_dma source(%dma_start3A_479 : memref<1000000x128xf32, #tpu.memory_space<hbm>>) target(%dma_start3A_475 : memref<104x128xf32, #tpu.memory_space<vmem>>) offsets(%dma_start3A_476 : memref<104xi32, #tpu.memory_space<vmem>>) semaphore(%dma_start3A_481 : memref<!tpu.dma_semaphore, #tpu.memory_space<semaphore_mem>>)
      %dma_wait3A_482 = arith.constant 1 : i32
      %dma_wait3A_483 = arith.constant 1 : i32
      %dma_wait3A_484 = arith.constant 0 : i32
      %dma_wait3A_485 = arith.constant 0 : i32
      %dma_wait3A_486 = tpu.memref_slice %arg6[%dma_wait3A_482, %dma_wait3A_484, %dma_wait3A_485] : memref<4x104x128xf32, #tpu.memory_space<vmem>> -> memref<1x104x128xf32, #tpu.memory_space<vmem>>
      %dma_wait3A_487 = tpu.memref_squeeze %dma_wait3A_486 : memref<1x104x128xf32, #tpu.memory_space<vmem>> -> memref<104x128xf32, #tpu.memory_space<vmem>>
      %dma_wait3A_488 = tpu.memref_reshape %dma_wait3A_487 : memref<104x128xf32, #tpu.memory_space<vmem>> -> memref<4x26x128xf32, #tpu.memory_space<vmem>>
      %dma_wait3A_489 = arith.constant 0 : i32
      %dma_wait3A_490 = arith.constant 0 : i32
      %dma_wait3A_491 = tpu.memref_slice %arg4[%mul3A_6, %dma_wait3A_489, %dma_wait3A_490] : memref<16384x26x128xf32, #tpu.memory_space<hbm>> -> memref<4x26x128xf32, #tpu.memory_space<hbm>>
      %dma_wait3A_492 = tpu.memref_slice %arg8[%dma_wait3A_483] : memref<4x!tpu.dma_semaphore, #tpu.memory_space<semaphore_mem>> -> memref<1x!tpu.dma_semaphore, #tpu.memory_space<semaphore_mem>>
      %dma_wait3A_493 = tpu.memref_squeeze %dma_wait3A_492 : memref<1x!tpu.dma_semaphore, #tpu.memory_space<semaphore_mem>> -> memref<!tpu.dma_semaphore, #tpu.memory_space<semaphore_mem>>
      %dma_wait3A_494 = arith.constant 0 : i32
      %dma_wait3A_495 = arith.constant 0 : i32
      %dma_wait3A_496 = tpu.memref_slice %arg4[%mul3A_6, %dma_wait3A_494, %dma_wait3A_495] : memref<16384x26x128xf32, #tpu.memory_space<hbm>> -> memref<4x26x128xf32, #tpu.memory_space<hbm>>
      %dma_wait3A_497 = arith.constant 0 : i32
      %dma_wait3A_498 = arith.constant 0 : i32
      %dma_wait3A_499 = tpu.memref_slice %arg6[%dma_wait3A_482, %dma_wait3A_497, %dma_wait3A_498] : memref<4x104x128xf32, #tpu.memory_space<vmem>> -> memref<1x104x128xf32, #tpu.memory_space<vmem>>
      %dma_wait3A_500 = tpu.memref_squeeze %dma_wait3A_499 : memref<1x104x128xf32, #tpu.memory_space<vmem>> -> memref<104x128xf32, #tpu.memory_space<vmem>>
      %dma_wait3A_501 = tpu.memref_reshape %dma_wait3A_500 : memref<104x128xf32, #tpu.memory_space<vmem>> -> memref<4x26x128xf32, #tpu.memory_space<vmem>>
      tpu.wait_dma2 semaphore(%dma_wait3A_493 : memref<!tpu.dma_semaphore, #tpu.memory_space<semaphore_mem>>) src(%dma_wait3A_501 : memref<4x26x128xf32, #tpu.memory_space<vmem>>) dst(%dma_wait3A_496 : memref<4x26x128xf32, #tpu.memory_space<hbm>>)
      %add3A_502 = arith.constant 4 : i32
      %add3A_503 = arith.addi %mul3A_290, %add3A_502 : i32
      %add3A_504 = arith.constant 1 : i32
      %add3A_505 = arith.addi %add3A_503, %add3A_504 : i32
      %mul3A_506 = arith.constant 104 : i32
      %mul3A_507 = arith.muli %add3A_505, %mul3A_506 : i32
      %multiple_of3A_508 = tpu.assume_multiple %mul3A_507, 8 : i32
      %dma_start3A_509 = arith.constant 1 : i32
      %dma_start3A_510 = arith.constant 1 : i32
      %dma_start3A_511 = arith.constant 0 : i32
      %dma_start3A_512 = arith.constant 0 : i32
      %dma_start3A_513 = tpu.memref_slice %arg6[%dma_start3A_509, %dma_start3A_511, %dma_start3A_512] : memref<4x104x128xf32, #tpu.memory_space<vmem>> -> memref<1x104x128xf32, #tpu.memory_space<vmem>>
      %dma_start3A_514 = tpu.memref_squeeze %dma_start3A_513 : memref<1x104x128xf32, #tpu.memory_space<vmem>> -> memref<104x128xf32, #tpu.memory_space<vmem>>
      %dma_start3A_515 = tpu.memref_slice %arg5[%multiple_of3A_508] : memref<13312xi32, #tpu.memory_space<vmem>> -> memref<104xi32, #tpu.memory_space<vmem>>
      %dma_start3A_516 = arith.constant 0 : i32
      %dma_start3A_517 = arith.constant 0 : i32
      %dma_start3A_518 = tpu.memref_slice %arg2[%dma_start3A_516, %dma_start3A_517] : memref<1000000x128xf32, #tpu.memory_space<hbm>> -> memref<1000000x128xf32, #tpu.memory_space<hbm>>
      %dma_start3A_519 = tpu.memref_slice %arg7[%dma_start3A_510] : memref<4x!tpu.dma_semaphore, #tpu.memory_space<semaphore_mem>> -> memref<1x!tpu.dma_semaphore, #tpu.memory_space<semaphore_mem>>
      %dma_start3A_520 = tpu.memref_squeeze %dma_start3A_519 : memref<1x!tpu.dma_semaphore, #tpu.memory_space<semaphore_mem>> -> memref<!tpu.dma_semaphore, #tpu.memory_space<semaphore_mem>>
      tpu.enqueue_indirect_dma source(%dma_start3A_518 : memref<1000000x128xf32, #tpu.memory_space<hbm>>) target(%dma_start3A_514 : memref<104x128xf32, #tpu.memory_space<vmem>>) offsets(%dma_start3A_515 : memref<104xi32, #tpu.memory_space<vmem>>) semaphore(%dma_start3A_520 : memref<!tpu.dma_semaphore, #tpu.memory_space<semaphore_mem>>)
      %dma_wait3A_521 = arith.constant 2 : i32
      %dma_wait3A_522 = arith.constant 2 : i32
      %dma_wait3A_523 = arith.constant 0 : i32
      %dma_wait3A_524 = arith.constant 0 : i32
      %dma_wait3A_525 = tpu.memref_slice %arg6[%dma_wait3A_521, %dma_wait3A_523, %dma_wait3A_524] : memref<4x104x128xf32, #tpu.memory_space<vmem>> -> memref<1x104x128xf32, #tpu.memory_space<vmem>>
      %dma_wait3A_526 = tpu.memref_squeeze %dma_wait3A_525 : memref<1x104x128xf32, #tpu.memory_space<vmem>> -> memref<104x128xf32, #tpu.memory_space<vmem>>
      %dma_wait3A_527 = tpu.memref_reshape %dma_wait3A_526 : memref<104x128xf32, #tpu.memory_space<vmem>> -> memref<4x26x128xf32, #tpu.memory_space<vmem>>
      %dma_wait3A_528 = arith.constant 0 : i32
      %dma_wait3A_529 = arith.constant 0 : i32
      %dma_wait3A_530 = tpu.memref_slice %arg4[%mul3A_6, %dma_wait3A_528, %dma_wait3A_529] : memref<16384x26x128xf32, #tpu.memory_space<hbm>> -> memref<4x26x128xf32, #tpu.memory_space<hbm>>
      %dma_wait3A_531 = tpu.memref_slice %arg8[%dma_wait3A_522] : memref<4x!tpu.dma_semaphore, #tpu.memory_space<semaphore_mem>> -> memref<1x!tpu.dma_semaphore, #tpu.memory_space<semaphore_mem>>
      %dma_wait3A_532 = tpu.memref_squeeze %dma_wait3A_531 : memref<1x!tpu.dma_semaphore, #tpu.memory_space<semaphore_mem>> -> memref<!tpu.dma_semaphore, #tpu.memory_space<semaphore_mem>>
      %dma_wait3A_533 = arith.constant 0 : i32
      %dma_wait3A_534 = arith.constant 0 : i32
      %dma_wait3A_535 = tpu.memref_slice %arg4[%mul3A_6, %dma_wait3A_533, %dma_wait3A_534] : memref<16384x26x128xf32, #tpu.memory_space<hbm>> -> memref<4x26x128xf32, #tpu.memory_space<hbm>>
      %dma_wait3A_536 = arith.constant 0 : i32
      %dma_wait3A_537 = arith.constant 0 : i32
      %dma_wait3A_538 = tpu.memref_slice %arg6[%dma_wait3A_521, %dma_wait3A_536, %dma_wait3A_537] : memref<4x104x128xf32, #tpu.memory_space<vmem>> -> memref<1x104x128xf32, #tpu.memory_space<vmem>>
      %dma_wait3A_539 = tpu.memref_squeeze %dma_wait3A_538 : memref<1x104x128xf32, #tpu.memory_space<vmem>> -> memref<104x128xf32, #tpu.memory_space<vmem>>
      %dma_wait3A_540 = tpu.memref_reshape %dma_wait3A_539 : memref<104x128xf32, #tpu.memory_space<vmem>> -> memref<4x26x128xf32, #tpu.memory_space<vmem>>
      tpu.wait_dma2 semaphore(%dma_wait3A_532 : memref<!tpu.dma_semaphore, #tpu.memory_space<semaphore_mem>>) src(%dma_wait3A_540 : memref<4x26x128xf32, #tpu.memory_space<vmem>>) dst(%dma_wait3A_535 : memref<4x26x128xf32, #tpu.memory_space<hbm>>)
      %add3A_541 = arith.constant 4 : i32
      %add3A_542 = arith.addi %mul3A_290, %add3A_541 : i32
      %add3A_543 = arith.constant 2 : i32
      %add3A_544 = arith.addi %add3A_542, %add3A_543 : i32
      %mul3A_545 = arith.constant 104 : i32
      %mul3A_546 = arith.muli %add3A_544, %mul3A_545 : i32
      %multiple_of3A_547 = tpu.assume_multiple %mul3A_546, 8 : i32
      %dma_start3A_548 = arith.constant 2 : i32
      %dma_start3A_549 = arith.constant 2 : i32
      %dma_start3A_550 = arith.constant 0 : i32
      %dma_start3A_551 = arith.constant 0 : i32
      %dma_start3A_552 = tpu.memref_slice %arg6[%dma_start3A_548, %dma_start3A_550, %dma_start3A_551] : memref<4x104x128xf32, #tpu.memory_space<vmem>> -> memref<1x104x128xf32, #tpu.memory_space<vmem>>
      %dma_start3A_553 = tpu.memref_squeeze %dma_start3A_552 : memref<1x104x128xf32, #tpu.memory_space<vmem>> -> memref<104x128xf32, #tpu.memory_space<vmem>>
      %dma_start3A_554 = tpu.memref_slice %arg5[%multiple_of3A_547] : memref<13312xi32, #tpu.memory_space<vmem>> -> memref<104xi32, #tpu.memory_space<vmem>>
      %dma_start3A_555 = arith.constant 0 : i32
      %dma_start3A_556 = arith.constant 0 : i32
      %dma_start3A_557 = tpu.memref_slice %arg2[%dma_start3A_555, %dma_start3A_556] : memref<1000000x128xf32, #tpu.memory_space<hbm>> -> memref<1000000x128xf32, #tpu.memory_space<hbm>>
      %dma_start3A_558 = tpu.memref_slice %arg7[%dma_start3A_549] : memref<4x!tpu.dma_semaphore, #tpu.memory_space<semaphore_mem>> -> memref<1x!tpu.dma_semaphore, #tpu.memory_space<semaphore_mem>>
      %dma_start3A_559 = tpu.memref_squeeze %dma_start3A_558 : memref<1x!tpu.dma_semaphore, #tpu.memory_space<semaphore_mem>> -> memref<!tpu.dma_semaphore, #tpu.memory_space<semaphore_mem>>
      tpu.enqueue_indirect_dma source(%dma_start3A_557 : memref<1000000x128xf32, #tpu.memory_space<hbm>>) target(%dma_start3A_553 : memref<104x128xf32, #tpu.memory_space<vmem>>) offsets(%dma_start3A_554 : memref<104xi32, #tpu.memory_space<vmem>>) semaphore(%dma_start3A_559 : memref<!tpu.dma_semaphore, #tpu.memory_space<semaphore_mem>>)
      %dma_wait3A_560 = arith.constant 3 : i32
      %dma_wait3A_561 = arith.constant 3 : i32
      %dma_wait3A_562 = arith.constant 0 : i32
      %dma_wait3A_563 = arith.constant 0 : i32
      %dma_wait3A_564 = tpu.memref_slice %arg6[%dma_wait3A_560, %dma_wait3A_562, %dma_wait3A_563] : memref<4x104x128xf32, #tpu.memory_space<vmem>> -> memref<1x104x128xf32, #tpu.memory_space<vmem>>
      %dma_wait3A_565 = tpu.memref_squeeze %dma_wait3A_564 : memref<1x104x128xf32, #tpu.memory_space<vmem>> -> memref<104x128xf32, #tpu.memory_space<vmem>>
      %dma_wait3A_566 = tpu.memref_reshape %dma_wait3A_565 : memref<104x128xf32, #tpu.memory_space<vmem>> -> memref<4x26x128xf32, #tpu.memory_space<vmem>>
      %dma_wait3A_567 = arith.constant 0 : i32
      %dma_wait3A_568 = arith.constant 0 : i32
      %dma_wait3A_569 = tpu.memref_slice %arg4[%mul3A_6, %dma_wait3A_567, %dma_wait3A_568] : memref<16384x26x128xf32, #tpu.memory_space<hbm>> -> memref<4x26x128xf32, #tpu.memory_space<hbm>>
      %dma_wait3A_570 = tpu.memref_slice %arg8[%dma_wait3A_561] : memref<4x!tpu.dma_semaphore, #tpu.memory_space<semaphore_mem>> -> memref<1x!tpu.dma_semaphore, #tpu.memory_space<semaphore_mem>>
      %dma_wait3A_571 = tpu.memref_squeeze %dma_wait3A_570 : memref<1x!tpu.dma_semaphore, #tpu.memory_space<semaphore_mem>> -> memref<!tpu.dma_semaphore, #tpu.memory_space<semaphore_mem>>
      %dma_wait3A_572 = arith.constant 0 : i32
      %dma_wait3A_573 = arith.constant 0 : i32
      %dma_wait3A_574 = tpu.memref_slice %arg4[%mul3A_6, %dma_wait3A_572, %dma_wait3A_573] : memref<16384x26x128xf32, #tpu.memory_space<hbm>> -> memref<4x26x128xf32, #tpu.memory_space<hbm>>
      %dma_wait3A_575 = arith.constant 0 : i32
      %dma_wait3A_576 = arith.constant 0 : i32
      %dma_wait3A_577 = tpu.memref_slice %arg6[%dma_wait3A_560, %dma_wait3A_575, %dma_wait3A_576] : memref<4x104x128xf32, #tpu.memory_space<vmem>> -> memref<1x104x128xf32, #tpu.memory_space<vmem>>
      %dma_wait3A_578 = tpu.memref_squeeze %dma_wait3A_577 : memref<1x104x128xf32, #tpu.memory_space<vmem>> -> memref<104x128xf32, #tpu.memory_space<vmem>>
      %dma_wait3A_579 = tpu.memref_reshape %dma_wait3A_578 : memref<104x128xf32, #tpu.memory_space<vmem>> -> memref<4x26x128xf32, #tpu.memory_space<vmem>>
      tpu.wait_dma2 semaphore(%dma_wait3A_571 : memref<!tpu.dma_semaphore, #tpu.memory_space<semaphore_mem>>) src(%dma_wait3A_579 : memref<4x26x128xf32, #tpu.memory_space<vmem>>) dst(%dma_wait3A_574 : memref<4x26x128xf32, #tpu.memory_space<hbm>>)
      %add3A_580 = arith.constant 4 : i32
      %add3A_581 = arith.addi %mul3A_290, %add3A_580 : i32
      %add3A_582 = arith.constant 3 : i32
      %add3A_583 = arith.addi %add3A_581, %add3A_582 : i32
      %mul3A_584 = arith.constant 104 : i32
      %mul3A_585 = arith.muli %add3A_583, %mul3A_584 : i32
      %multiple_of3A_586 = tpu.assume_multiple %mul3A_585, 8 : i32
      %dma_start3A_587 = arith.constant 3 : i32
      %dma_start3A_588 = arith.constant 3 : i32
      %dma_start3A_589 = arith.constant 0 : i32
      %dma_start3A_590 = arith.constant 0 : i32
      %dma_start3A_591 = tpu.memref_slice %arg6[%dma_start3A_587, %dma_start3A_589, %dma_start3A_590] : memref<4x104x128xf32, #tpu.memory_space<vmem>> -> memref<1x104x128xf32, #tpu.memory_space<vmem>>
      %dma_start3A_592 = tpu.memref_squeeze %dma_start3A_591 : memref<1x104x128xf32, #tpu.memory_space<vmem>> -> memref<104x128xf32, #tpu.memory_space<vmem>>
      %dma_start3A_593 = tpu.memref_slice %arg5[%multiple_of3A_586] : memref<13312xi32, #tpu.memory_space<vmem>> -> memref<104xi32, #tpu.memory_space<vmem>>
      %dma_start3A_594 = arith.constant 0 : i32
      %dma_start3A_595 = arith.constant 0 : i32
      %dma_start3A_596 = tpu.memref_slice %arg2[%dma_start3A_594, %dma_start3A_595] : memref<1000000x128xf32, #tpu.memory_space<hbm>> -> memref<1000000x128xf32, #tpu.memory_space<hbm>>
      %dma_start3A_597 = tpu.memref_slice %arg7[%dma_start3A_588] : memref<4x!tpu.dma_semaphore, #tpu.memory_space<semaphore_mem>> -> memref<1x!tpu.dma_semaphore, #tpu.memory_space<semaphore_mem>>
      %dma_start3A_598 = tpu.memref_squeeze %dma_start3A_597 : memref<1x!tpu.dma_semaphore, #tpu.memory_space<semaphore_mem>> -> memref<!tpu.dma_semaphore, #tpu.memory_space<semaphore_mem>>
      tpu.enqueue_indirect_dma source(%dma_start3A_596 : memref<1000000x128xf32, #tpu.memory_space<hbm>>) target(%dma_start3A_592 : memref<104x128xf32, #tpu.memory_space<vmem>>) offsets(%dma_start3A_593 : memref<104xi32, #tpu.memory_space<vmem>>) semaphore(%dma_start3A_598 : memref<!tpu.dma_semaphore, #tpu.memory_space<semaphore_mem>>)
    }
    %scan3A_64 = arith.constant 31 : i32
    %dma_wait3A = arith.constant 0 : i32
    %dma_wait3A_65 = arith.constant 0 : i32
    %dma_wait3A_66 = arith.constant 0 : i32
    %dma_wait3A_67 = arith.constant 0 : i32
    %dma_wait3A_68 = tpu.memref_slice %arg6[%dma_wait3A, %dma_wait3A_66, %dma_wait3A_67] : memref<4x104x128xf32, #tpu.memory_space<vmem>> -> memref<1x104x128xf32, #tpu.memory_space<vmem>>
    %dma_wait3A_69 = tpu.memref_squeeze %dma_wait3A_68 : memref<1x104x128xf32, #tpu.memory_space<vmem>> -> memref<104x128xf32, #tpu.memory_space<vmem>>
    %dma_wait3A_70 = arith.constant 0 : i32
    %dma_wait3A_71 = tpu.memref_slice %arg5[%dma_wait3A_70] : memref<13312xi32, #tpu.memory_space<vmem>> -> memref<104xi32, #tpu.memory_space<vmem>>
    %dma_wait3A_72 = arith.constant 0 : i32
    %dma_wait3A_73 = arith.constant 0 : i32
    %dma_wait3A_74 = tpu.memref_slice %arg2[%dma_wait3A_72, %dma_wait3A_73] : memref<1000000x128xf32, #tpu.memory_space<hbm>> -> memref<1000000x128xf32, #tpu.memory_space<hbm>>
    %dma_wait3A_75 = tpu.memref_slice %arg7[%dma_wait3A_65] : memref<4x!tpu.dma_semaphore, #tpu.memory_space<semaphore_mem>> -> memref<1x!tpu.dma_semaphore, #tpu.memory_space<semaphore_mem>>
    %dma_wait3A_76 = tpu.memref_squeeze %dma_wait3A_75 : memref<1x!tpu.dma_semaphore, #tpu.memory_space<semaphore_mem>> -> memref<!tpu.dma_semaphore, #tpu.memory_space<semaphore_mem>>
    tpu.wait_indirect_dma semaphore(%dma_wait3A_76 : memref<!tpu.dma_semaphore, #tpu.memory_space<semaphore_mem>>) src(%dma_wait3A_74 : memref<1000000x128xf32, #tpu.memory_space<hbm>>) dst(%dma_wait3A_69 : memref<104x128xf32, #tpu.memory_space<vmem>>)
    %add3A_77 = arith.constant 496 : i32
    %add3A_78 = arith.addi %mul3A_6, %add3A_77 : i32
    %dma_start3A_79 = arith.constant 0 : i32
    %dma_start3A_80 = arith.constant 0 : i32
    %dma_start3A_81 = arith.constant 0 : i32
    %dma_start3A_82 = arith.constant 0 : i32
    %dma_start3A_83 = tpu.memref_slice %arg6[%dma_start3A_79, %dma_start3A_81, %dma_start3A_82] : memref<4x104x128xf32, #tpu.memory_space<vmem>> -> memref<1x104x128xf32, #tpu.memory_space<vmem>>
    %dma_start3A_84 = tpu.memref_squeeze %dma_start3A_83 : memref<1x104x128xf32, #tpu.memory_space<vmem>> -> memref<104x128xf32, #tpu.memory_space<vmem>>
    %dma_start3A_85 = tpu.memref_reshape %dma_start3A_84 : memref<104x128xf32, #tpu.memory_space<vmem>> -> memref<4x26x128xf32, #tpu.memory_space<vmem>>
    %dma_start3A_86 = arith.constant 0 : i32
    %dma_start3A_87 = arith.constant 0 : i32
    %dma_start3A_88 = tpu.memref_slice %arg4[%add3A_78, %dma_start3A_86, %dma_start3A_87] : memref<16384x26x128xf32, #tpu.memory_space<hbm>> -> memref<4x26x128xf32, #tpu.memory_space<hbm>>
    %dma_start3A_89 = tpu.memref_slice %arg8[%dma_start3A_80] : memref<4x!tpu.dma_semaphore, #tpu.memory_space<semaphore_mem>> -> memref<1x!tpu.dma_semaphore, #tpu.memory_space<semaphore_mem>>
    %dma_start3A_90 = tpu.memref_squeeze %dma_start3A_89 : memref<1x!tpu.dma_semaphore, #tpu.memory_space<semaphore_mem>> -> memref<!tpu.dma_semaphore, #tpu.memory_space<semaphore_mem>>
    %dma_start3A_91 = arith.constant 0 : i32
    %dma_start3A_92 = arith.constant 0 : i32
    %dma_start3A_93 = tpu.memref_slice %arg4[%add3A_78, %dma_start3A_91, %dma_start3A_92] : memref<16384x26x128xf32, #tpu.memory_space<hbm>> -> memref<4x26x128xf32, #tpu.memory_space<hbm>>
    %dma_start3A_94 = arith.constant 0 : i32
    %dma_start3A_95 = arith.constant 0 : i32
    %dma_start3A_96 = tpu.memref_slice %arg6[%dma_start3A_79, %dma_start3A_94, %dma_start3A_95] : memref<4x104x128xf32, #tpu.memory_space<vmem>> -> memref<1x104x128xf32, #tpu.memory_space<vmem>>
    %dma_start3A_97 = tpu.memref_squeeze %dma_start3A_96 : memref<1x104x128xf32, #tpu.memory_space<vmem>> -> memref<104x128xf32, #tpu.memory_space<vmem>>
    %dma_start3A_98 = tpu.memref_reshape %dma_start3A_97 : memref<104x128xf32, #tpu.memory_space<vmem>> -> memref<4x26x128xf32, #tpu.memory_space<vmem>>
    tpu.enqueue_dma source(%dma_start3A_98 : memref<4x26x128xf32, #tpu.memory_space<vmem>>) target(%dma_start3A_93 : memref<4x26x128xf32, #tpu.memory_space<hbm>>) target_semaphore(%dma_start3A_90 : memref<!tpu.dma_semaphore, #tpu.memory_space<semaphore_mem>>)
    %dma_wait3A_99 = arith.constant 1 : i32
    %dma_wait3A_100 = arith.constant 1 : i32
    %dma_wait3A_101 = arith.constant 0 : i32
    %dma_wait3A_102 = arith.constant 0 : i32
    %dma_wait3A_103 = tpu.memref_slice %arg6[%dma_wait3A_99, %dma_wait3A_101, %dma_wait3A_102] : memref<4x104x128xf32, #tpu.memory_space<vmem>> -> memref<1x104x128xf32, #tpu.memory_space<vmem>>
    %dma_wait3A_104 = tpu.memref_squeeze %dma_wait3A_103 : memref<1x104x128xf32, #tpu.memory_space<vmem>> -> memref<104x128xf32, #tpu.memory_space<vmem>>
    %dma_wait3A_105 = arith.constant 0 : i32
    %dma_wait3A_106 = tpu.memref_slice %arg5[%dma_wait3A_105] : memref<13312xi32, #tpu.memory_space<vmem>> -> memref<104xi32, #tpu.memory_space<vmem>>
    %dma_wait3A_107 = arith.constant 0 : i32
    %dma_wait3A_108 = arith.constant 0 : i32
    %dma_wait3A_109 = tpu.memref_slice %arg2[%dma_wait3A_107, %dma_wait3A_108] : memref<1000000x128xf32, #tpu.memory_space<hbm>> -> memref<1000000x128xf32, #tpu.memory_space<hbm>>
    %dma_wait3A_110 = tpu.memref_slice %arg7[%dma_wait3A_100] : memref<4x!tpu.dma_semaphore, #tpu.memory_space<semaphore_mem>> -> memref<1x!tpu.dma_semaphore, #tpu.memory_space<semaphore_mem>>
    %dma_wait3A_111 = tpu.memref_squeeze %dma_wait3A_110 : memref<1x!tpu.dma_semaphore, #tpu.memory_space<semaphore_mem>> -> memref<!tpu.dma_semaphore, #tpu.memory_space<semaphore_mem>>
    tpu.wait_indirect_dma semaphore(%dma_wait3A_111 : memref<!tpu.dma_semaphore, #tpu.memory_space<semaphore_mem>>) src(%dma_wait3A_109 : memref<1000000x128xf32, #tpu.memory_space<hbm>>) dst(%dma_wait3A_104 : memref<104x128xf32, #tpu.memory_space<vmem>>)
    %add3A_112 = arith.constant 500 : i32
    %add3A_113 = arith.addi %mul3A_6, %add3A_112 : i32
    %dma_start3A_114 = arith.constant 1 : i32
    %dma_start3A_115 = arith.constant 1 : i32
    %dma_start3A_116 = arith.constant 0 : i32
    %dma_start3A_117 = arith.constant 0 : i32
    %dma_start3A_118 = tpu.memref_slice %arg6[%dma_start3A_114, %dma_start3A_116, %dma_start3A_117] : memref<4x104x128xf32, #tpu.memory_space<vmem>> -> memref<1x104x128xf32, #tpu.memory_space<vmem>>
    %dma_start3A_119 = tpu.memref_squeeze %dma_start3A_118 : memref<1x104x128xf32, #tpu.memory_space<vmem>> -> memref<104x128xf32, #tpu.memory_space<vmem>>
    %dma_start3A_120 = tpu.memref_reshape %dma_start3A_119 : memref<104x128xf32, #tpu.memory_space<vmem>> -> memref<4x26x128xf32, #tpu.memory_space<vmem>>
    %dma_start3A_121 = arith.constant 0 : i32
    %dma_start3A_122 = arith.constant 0 : i32
    %dma_start3A_123 = tpu.memref_slice %arg4[%add3A_113, %dma_start3A_121, %dma_start3A_122] : memref<16384x26x128xf32, #tpu.memory_space<hbm>> -> memref<4x26x128xf32, #tpu.memory_space<hbm>>
    %dma_start3A_124 = tpu.memref_slice %arg8[%dma_start3A_115] : memref<4x!tpu.dma_semaphore, #tpu.memory_space<semaphore_mem>> -> memref<1x!tpu.dma_semaphore, #tpu.memory_space<semaphore_mem>>
    %dma_start3A_125 = tpu.memref_squeeze %dma_start3A_124 : memref<1x!tpu.dma_semaphore, #tpu.memory_space<semaphore_mem>> -> memref<!tpu.dma_semaphore, #tpu.memory_space<semaphore_mem>>
    %dma_start3A_126 = arith.constant 0 : i32
    %dma_start3A_127 = arith.constant 0 : i32
    %dma_start3A_128 = tpu.memref_slice %arg4[%add3A_113, %dma_start3A_126, %dma_start3A_127] : memref<16384x26x128xf32, #tpu.memory_space<hbm>> -> memref<4x26x128xf32, #tpu.memory_space<hbm>>
    %dma_start3A_129 = arith.constant 0 : i32
    %dma_start3A_130 = arith.constant 0 : i32
    %dma_start3A_131 = tpu.memref_slice %arg6[%dma_start3A_114, %dma_start3A_129, %dma_start3A_130] : memref<4x104x128xf32, #tpu.memory_space<vmem>> -> memref<1x104x128xf32, #tpu.memory_space<vmem>>
    %dma_start3A_132 = tpu.memref_squeeze %dma_start3A_131 : memref<1x104x128xf32, #tpu.memory_space<vmem>> -> memref<104x128xf32, #tpu.memory_space<vmem>>
    %dma_start3A_133 = tpu.memref_reshape %dma_start3A_132 : memref<104x128xf32, #tpu.memory_space<vmem>> -> memref<4x26x128xf32, #tpu.memory_space<vmem>>
    tpu.enqueue_dma source(%dma_start3A_133 : memref<4x26x128xf32, #tpu.memory_space<vmem>>) target(%dma_start3A_128 : memref<4x26x128xf32, #tpu.memory_space<hbm>>) target_semaphore(%dma_start3A_125 : memref<!tpu.dma_semaphore, #tpu.memory_space<semaphore_mem>>)
    %dma_wait3A_134 = arith.constant 2 : i32
    %dma_wait3A_135 = arith.constant 2 : i32
    %dma_wait3A_136 = arith.constant 0 : i32
    %dma_wait3A_137 = arith.constant 0 : i32
    %dma_wait3A_138 = tpu.memref_slice %arg6[%dma_wait3A_134, %dma_wait3A_136, %dma_wait3A_137] : memref<4x104x128xf32, #tpu.memory_space<vmem>> -> memref<1x104x128xf32, #tpu.memory_space<vmem>>
    %dma_wait3A_139 = tpu.memref_squeeze %dma_wait3A_138 : memref<1x104x128xf32, #tpu.memory_space<vmem>> -> memref<104x128xf32, #tpu.memory_space<vmem>>
    %dma_wait3A_140 = arith.constant 0 : i32
    %dma_wait3A_141 = tpu.memref_slice %arg5[%dma_wait3A_140] : memref<13312xi32, #tpu.memory_space<vmem>> -> memref<104xi32, #tpu.memory_space<vmem>>
    %dma_wait3A_142 = arith.constant 0 : i32
    %dma_wait3A_143 = arith.constant 0 : i32
    %dma_wait3A_144 = tpu.memref_slice %arg2[%dma_wait3A_142, %dma_wait3A_143] : memref<1000000x128xf32, #tpu.memory_space<hbm>> -> memref<1000000x128xf32, #tpu.memory_space<hbm>>
    %dma_wait3A_145 = tpu.memref_slice %arg7[%dma_wait3A_135] : memref<4x!tpu.dma_semaphore, #tpu.memory_space<semaphore_mem>> -> memref<1x!tpu.dma_semaphore, #tpu.memory_space<semaphore_mem>>
    %dma_wait3A_146 = tpu.memref_squeeze %dma_wait3A_145 : memref<1x!tpu.dma_semaphore, #tpu.memory_space<semaphore_mem>> -> memref<!tpu.dma_semaphore, #tpu.memory_space<semaphore_mem>>
    tpu.wait_indirect_dma semaphore(%dma_wait3A_146 : memref<!tpu.dma_semaphore, #tpu.memory_space<semaphore_mem>>) src(%dma_wait3A_144 : memref<1000000x128xf32, #tpu.memory_space<hbm>>) dst(%dma_wait3A_139 : memref<104x128xf32, #tpu.memory_space<vmem>>)
    %add3A_147 = arith.constant 504 : i32
    %add3A_148 = arith.addi %mul3A_6, %add3A_147 : i32
    %dma_start3A_149 = arith.constant 2 : i32
    %dma_start3A_150 = arith.constant 2 : i32
    %dma_start3A_151 = arith.constant 0 : i32
    %dma_start3A_152 = arith.constant 0 : i32
    %dma_start3A_153 = tpu.memref_slice %arg6[%dma_start3A_149, %dma_start3A_151, %dma_start3A_152] : memref<4x104x128xf32, #tpu.memory_space<vmem>> -> memref<1x104x128xf32, #tpu.memory_space<vmem>>
    %dma_start3A_154 = tpu.memref_squeeze %dma_start3A_153 : memref<1x104x128xf32, #tpu.memory_space<vmem>> -> memref<104x128xf32, #tpu.memory_space<vmem>>
    %dma_start3A_155 = tpu.memref_reshape %dma_start3A_154 : memref<104x128xf32, #tpu.memory_space<vmem>> -> memref<4x26x128xf32, #tpu.memory_space<vmem>>
    %dma_start3A_156 = arith.constant 0 : i32
    %dma_start3A_157 = arith.constant 0 : i32
    %dma_start3A_158 = tpu.memref_slice %arg4[%add3A_148, %dma_start3A_156, %dma_start3A_157] : memref<16384x26x128xf32, #tpu.memory_space<hbm>> -> memref<4x26x128xf32, #tpu.memory_space<hbm>>
    %dma_start3A_159 = tpu.memref_slice %arg8[%dma_start3A_150] : memref<4x!tpu.dma_semaphore, #tpu.memory_space<semaphore_mem>> -> memref<1x!tpu.dma_semaphore, #tpu.memory_space<semaphore_mem>>
    %dma_start3A_160 = tpu.memref_squeeze %dma_start3A_159 : memref<1x!tpu.dma_semaphore, #tpu.memory_space<semaphore_mem>> -> memref<!tpu.dma_semaphore, #tpu.memory_space<semaphore_mem>>
    %dma_start3A_161 = arith.constant 0 : i32
    %dma_start3A_162 = arith.constant 0 : i32
    %dma_start3A_163 = tpu.memref_slice %arg4[%add3A_148, %dma_start3A_161, %dma_start3A_162] : memref<16384x26x128xf32, #tpu.memory_space<hbm>> -> memref<4x26x128xf32, #tpu.memory_space<hbm>>
    %dma_start3A_164 = arith.constant 0 : i32
    %dma_start3A_165 = arith.constant 0 : i32
    %dma_start3A_166 = tpu.memref_slice %arg6[%dma_start3A_149, %dma_start3A_164, %dma_start3A_165] : memref<4x104x128xf32, #tpu.memory_space<vmem>> -> memref<1x104x128xf32, #tpu.memory_space<vmem>>
    %dma_start3A_167 = tpu.memref_squeeze %dma_start3A_166 : memref<1x104x128xf32, #tpu.memory_space<vmem>> -> memref<104x128xf32, #tpu.memory_space<vmem>>
    %dma_start3A_168 = tpu.memref_reshape %dma_start3A_167 : memref<104x128xf32, #tpu.memory_space<vmem>> -> memref<4x26x128xf32, #tpu.memory_space<vmem>>
    tpu.enqueue_dma source(%dma_start3A_168 : memref<4x26x128xf32, #tpu.memory_space<vmem>>) target(%dma_start3A_163 : memref<4x26x128xf32, #tpu.memory_space<hbm>>) target_semaphore(%dma_start3A_160 : memref<!tpu.dma_semaphore, #tpu.memory_space<semaphore_mem>>)
    %dma_wait3A_169 = arith.constant 3 : i32
    %dma_wait3A_170 = arith.constant 3 : i32
    %dma_wait3A_171 = arith.constant 0 : i32
    %dma_wait3A_172 = arith.constant 0 : i32
    %dma_wait3A_173 = tpu.memref_slice %arg6[%dma_wait3A_169, %dma_wait3A_171, %dma_wait3A_172] : memref<4x104x128xf32, #tpu.memory_space<vmem>> -> memref<1x104x128xf32, #tpu.memory_space<vmem>>
    %dma_wait3A_174 = tpu.memref_squeeze %dma_wait3A_173 : memref<1x104x128xf32, #tpu.memory_space<vmem>> -> memref<104x128xf32, #tpu.memory_space<vmem>>
    %dma_wait3A_175 = arith.constant 0 : i32
    %dma_wait3A_176 = tpu.memref_slice %arg5[%dma_wait3A_175] : memref<13312xi32, #tpu.memory_space<vmem>> -> memref<104xi32, #tpu.memory_space<vmem>>
    %dma_wait3A_177 = arith.constant 0 : i32
    %dma_wait3A_178 = arith.constant 0 : i32
    %dma_wait3A_179 = tpu.memref_slice %arg2[%dma_wait3A_177, %dma_wait3A_178] : memref<1000000x128xf32, #tpu.memory_space<hbm>> -> memref<1000000x128xf32, #tpu.memory_space<hbm>>
    %dma_wait3A_180 = tpu.memref_slice %arg7[%dma_wait3A_170] : memref<4x!tpu.dma_semaphore, #tpu.memory_space<semaphore_mem>> -> memref<1x!tpu.dma_semaphore, #tpu.memory_space<semaphore_mem>>
    %dma_wait3A_181 = tpu.memref_squeeze %dma_wait3A_180 : memref<1x!tpu.dma_semaphore, #tpu.memory_space<semaphore_mem>> -> memref<!tpu.dma_semaphore, #tpu.memory_space<semaphore_mem>>
    tpu.wait_indirect_dma semaphore(%dma_wait3A_181 : memref<!tpu.dma_semaphore, #tpu.memory_space<semaphore_mem>>) src(%dma_wait3A_179 : memref<1000000x128xf32, #tpu.memory_space<hbm>>) dst(%dma_wait3A_174 : memref<104x128xf32, #tpu.memory_space<vmem>>)
    %add3A_182 = arith.constant 508 : i32
    %add3A_183 = arith.addi %mul3A_6, %add3A_182 : i32
    %dma_start3A_184 = arith.constant 3 : i32
    %dma_start3A_185 = arith.constant 3 : i32
    %dma_start3A_186 = arith.constant 0 : i32
    %dma_start3A_187 = arith.constant 0 : i32
    %dma_start3A_188 = tpu.memref_slice %arg6[%dma_start3A_184, %dma_start3A_186, %dma_start3A_187] : memref<4x104x128xf32, #tpu.memory_space<vmem>> -> memref<1x104x128xf32, #tpu.memory_space<vmem>>
    %dma_start3A_189 = tpu.memref_squeeze %dma_start3A_188 : memref<1x104x128xf32, #tpu.memory_space<vmem>> -> memref<104x128xf32, #tpu.memory_space<vmem>>
    %dma_start3A_190 = tpu.memref_reshape %dma_start3A_189 : memref<104x128xf32, #tpu.memory_space<vmem>> -> memref<4x26x128xf32, #tpu.memory_space<vmem>>
    %dma_start3A_191 = arith.constant 0 : i32
    %dma_start3A_192 = arith.constant 0 : i32
    %dma_start3A_193 = tpu.memref_slice %arg4[%add3A_183, %dma_start3A_191, %dma_start3A_192] : memref<16384x26x128xf32, #tpu.memory_space<hbm>> -> memref<4x26x128xf32, #tpu.memory_space<hbm>>
    %dma_start3A_194 = tpu.memref_slice %arg8[%dma_start3A_185] : memref<4x!tpu.dma_semaphore, #tpu.memory_space<semaphore_mem>> -> memref<1x!tpu.dma_semaphore, #tpu.memory_space<semaphore_mem>>
    %dma_start3A_195 = tpu.memref_squeeze %dma_start3A_194 : memref<1x!tpu.dma_semaphore, #tpu.memory_space<semaphore_mem>> -> memref<!tpu.dma_semaphore, #tpu.memory_space<semaphore_mem>>
    %dma_start3A_196 = arith.constant 0 : i32
    %dma_start3A_197 = arith.constant 0 : i32
    %dma_start3A_198 = tpu.memref_slice %arg4[%add3A_183, %dma_start3A_196, %dma_start3A_197] : memref<16384x26x128xf32, #tpu.memory_space<hbm>> -> memref<4x26x128xf32, #tpu.memory_space<hbm>>
    %dma_start3A_199 = arith.constant 0 : i32
    %dma_start3A_200 = arith.constant 0 : i32
    %dma_start3A_201 = tpu.memref_slice %arg6[%dma_start3A_184, %dma_start3A_199, %dma_start3A_200] : memref<4x104x128xf32, #tpu.memory_space<vmem>> -> memref<1x104x128xf32, #tpu.memory_space<vmem>>
    %dma_start3A_202 = tpu.memref_squeeze %dma_start3A_201 : memref<1x104x128xf32, #tpu.memory_space<vmem>> -> memref<104x128xf32, #tpu.memory_space<vmem>>
    %dma_start3A_203 = tpu.memref_reshape %dma_start3A_202 : memref<104x128xf32, #tpu.memory_space<vmem>> -> memref<4x26x128xf32, #tpu.memory_space<vmem>>
    tpu.enqueue_dma source(%dma_start3A_203 : memref<4x26x128xf32, #tpu.memory_space<vmem>>) target(%dma_start3A_198 : memref<4x26x128xf32, #tpu.memory_space<hbm>>) target_semaphore(%dma_start3A_195 : memref<!tpu.dma_semaphore, #tpu.memory_space<semaphore_mem>>)
    %dma_wait3A_204 = arith.constant 0 : i32
    %dma_wait3A_205 = arith.constant 0 : i32
    %dma_wait3A_206 = arith.constant 0 : i32
    %dma_wait3A_207 = arith.constant 0 : i32
    %dma_wait3A_208 = tpu.memref_slice %arg6[%dma_wait3A_204, %dma_wait3A_206, %dma_wait3A_207] : memref<4x104x128xf32, #tpu.memory_space<vmem>> -> memref<1x104x128xf32, #tpu.memory_space<vmem>>
    %dma_wait3A_209 = tpu.memref_squeeze %dma_wait3A_208 : memref<1x104x128xf32, #tpu.memory_space<vmem>> -> memref<104x128xf32, #tpu.memory_space<vmem>>
    %dma_wait3A_210 = tpu.memref_reshape %dma_wait3A_209 : memref<104x128xf32, #tpu.memory_space<vmem>> -> memref<4x26x128xf32, #tpu.memory_space<vmem>>
    %dma_wait3A_211 = arith.constant 0 : i32
    %dma_wait3A_212 = arith.constant 0 : i32
    %dma_wait3A_213 = tpu.memref_slice %arg4[%mul3A_6, %dma_wait3A_211, %dma_wait3A_212] : memref<16384x26x128xf32, #tpu.memory_space<hbm>> -> memref<4x26x128xf32, #tpu.memory_space<hbm>>
    %dma_wait3A_214 = tpu.memref_slice %arg8[%dma_wait3A_205] : memref<4x!tpu.dma_semaphore, #tpu.memory_space<semaphore_mem>> -> memref<1x!tpu.dma_semaphore, #tpu.memory_space<semaphore_mem>>
    %dma_wait3A_215 = tpu.memref_squeeze %dma_wait3A_214 : memref<1x!tpu.dma_semaphore, #tpu.memory_space<semaphore_mem>> -> memref<!tpu.dma_semaphore, #tpu.memory_space<semaphore_mem>>
    %dma_wait3A_216 = arith.constant 0 : i32
    %dma_wait3A_217 = arith.constant 0 : i32
    %dma_wait3A_218 = tpu.memref_slice %arg4[%mul3A_6, %dma_wait3A_216, %dma_wait3A_217] : memref<16384x26x128xf32, #tpu.memory_space<hbm>> -> memref<4x26x128xf32, #tpu.memory_space<hbm>>
    %dma_wait3A_219 = arith.constant 0 : i32
    %dma_wait3A_220 = arith.constant 0 : i32
    %dma_wait3A_221 = tpu.memref_slice %arg6[%dma_wait3A_204, %dma_wait3A_219, %dma_wait3A_220] : memref<4x104x128xf32, #tpu.memory_space<vmem>> -> memref<1x104x128xf32, #tpu.memory_space<vmem>>
    %dma_wait3A_222 = tpu.memref_squeeze %dma_wait3A_221 : memref<1x104x128xf32, #tpu.memory_space<vmem>> -> memref<104x128xf32, #tpu.memory_space<vmem>>
    %dma_wait3A_223 = tpu.memref_reshape %dma_wait3A_222 : memref<104x128xf32, #tpu.memory_space<vmem>> -> memref<4x26x128xf32, #tpu.memory_space<vmem>>
    tpu.wait_dma2 semaphore(%dma_wait3A_215 : memref<!tpu.dma_semaphore, #tpu.memory_space<semaphore_mem>>) src(%dma_wait3A_223 : memref<4x26x128xf32, #tpu.memory_space<vmem>>) dst(%dma_wait3A_218 : memref<4x26x128xf32, #tpu.memory_space<hbm>>)
    %dma_wait3A_224 = arith.constant 1 : i32
    %dma_wait3A_225 = arith.constant 1 : i32
    %dma_wait3A_226 = arith.constant 0 : i32
    %dma_wait3A_227 = arith.constant 0 : i32
    %dma_wait3A_228 = tpu.memref_slice %arg6[%dma_wait3A_224, %dma_wait3A_226, %dma_wait3A_227] : memref<4x104x128xf32, #tpu.memory_space<vmem>> -> memref<1x104x128xf32, #tpu.memory_space<vmem>>
    %dma_wait3A_229 = tpu.memref_squeeze %dma_wait3A_228 : memref<1x104x128xf32, #tpu.memory_space<vmem>> -> memref<104x128xf32, #tpu.memory_space<vmem>>
    %dma_wait3A_230 = tpu.memref_reshape %dma_wait3A_229 : memref<104x128xf32, #tpu.memory_space<vmem>> -> memref<4x26x128xf32, #tpu.memory_space<vmem>>
    %dma_wait3A_231 = arith.constant 0 : i32
    %dma_wait3A_232 = arith.constant 0 : i32
    %dma_wait3A_233 = tpu.memref_slice %arg4[%mul3A_6, %dma_wait3A_231, %dma_wait3A_232] : memref<16384x26x128xf32, #tpu.memory_space<hbm>> -> memref<4x26x128xf32, #tpu.memory_space<hbm>>
    %dma_wait3A_234 = tpu.memref_slice %arg8[%dma_wait3A_225] : memref<4x!tpu.dma_semaphore, #tpu.memory_space<semaphore_mem>> -> memref<1x!tpu.dma_semaphore, #tpu.memory_space<semaphore_mem>>
    %dma_wait3A_235 = tpu.memref_squeeze %dma_wait3A_234 : memref<1x!tpu.dma_semaphore, #tpu.memory_space<semaphore_mem>> -> memref<!tpu.dma_semaphore, #tpu.memory_space<semaphore_mem>>
    %dma_wait3A_236 = arith.constant 0 : i32
    %dma_wait3A_237 = arith.constant 0 : i32
    %dma_wait3A_238 = tpu.memref_slice %arg4[%mul3A_6, %dma_wait3A_236, %dma_wait3A_237] : memref<16384x26x128xf32, #tpu.memory_space<hbm>> -> memref<4x26x128xf32, #tpu.memory_space<hbm>>
    %dma_wait3A_239 = arith.constant 0 : i32
    %dma_wait3A_240 = arith.constant 0 : i32
    %dma_wait3A_241 = tpu.memref_slice %arg6[%dma_wait3A_224, %dma_wait3A_239, %dma_wait3A_240] : memref<4x104x128xf32, #tpu.memory_space<vmem>> -> memref<1x104x128xf32, #tpu.memory_space<vmem>>
    %dma_wait3A_242 = tpu.memref_squeeze %dma_wait3A_241 : memref<1x104x128xf32, #tpu.memory_space<vmem>> -> memref<104x128xf32, #tpu.memory_space<vmem>>
    %dma_wait3A_243 = tpu.memref_reshape %dma_wait3A_242 : memref<104x128xf32, #tpu.memory_space<vmem>> -> memref<4x26x128xf32, #tpu.memory_space<vmem>>
    tpu.wait_dma2 semaphore(%dma_wait3A_235 : memref<!tpu.dma_semaphore, #tpu.memory_space<semaphore_mem>>) src(%dma_wait3A_243 : memref<4x26x128xf32, #tpu.memory_space<vmem>>) dst(%dma_wait3A_238 : memref<4x26x128xf32, #tpu.memory_space<hbm>>)
    %dma_wait3A_244 = arith.constant 2 : i32
    %dma_wait3A_245 = arith.constant 2 : i32
    %dma_wait3A_246 = arith.constant 0 : i32
    %dma_wait3A_247 = arith.constant 0 : i32
    %dma_wait3A_248 = tpu.memref_slice %arg6[%dma_wait3A_244, %dma_wait3A_246, %dma_wait3A_247] : memref<4x104x128xf32, #tpu.memory_space<vmem>> -> memref<1x104x128xf32, #tpu.memory_space<vmem>>
    %dma_wait3A_249 = tpu.memref_squeeze %dma_wait3A_248 : memref<1x104x128xf32, #tpu.memory_space<vmem>> -> memref<104x128xf32, #tpu.memory_space<vmem>>
    %dma_wait3A_250 = tpu.memref_reshape %dma_wait3A_249 : memref<104x128xf32, #tpu.memory_space<vmem>> -> memref<4x26x128xf32, #tpu.memory_space<vmem>>
    %dma_wait3A_251 = arith.constant 0 : i32
    %dma_wait3A_252 = arith.constant 0 : i32
    %dma_wait3A_253 = tpu.memref_slice %arg4[%mul3A_6, %dma_wait3A_251, %dma_wait3A_252] : memref<16384x26x128xf32, #tpu.memory_space<hbm>> -> memref<4x26x128xf32, #tpu.memory_space<hbm>>
    %dma_wait3A_254 = tpu.memref_slice %arg8[%dma_wait3A_245] : memref<4x!tpu.dma_semaphore, #tpu.memory_space<semaphore_mem>> -> memref<1x!tpu.dma_semaphore, #tpu.memory_space<semaphore_mem>>
    %dma_wait3A_255 = tpu.memref_squeeze %dma_wait3A_254 : memref<1x!tpu.dma_semaphore, #tpu.memory_space<semaphore_mem>> -> memref<!tpu.dma_semaphore, #tpu.memory_space<semaphore_mem>>
    %dma_wait3A_256 = arith.constant 0 : i32
    %dma_wait3A_257 = arith.constant 0 : i32
    %dma_wait3A_258 = tpu.memref_slice %arg4[%mul3A_6, %dma_wait3A_256, %dma_wait3A_257] : memref<16384x26x128xf32, #tpu.memory_space<hbm>> -> memref<4x26x128xf32, #tpu.memory_space<hbm>>
    %dma_wait3A_259 = arith.constant 0 : i32
    %dma_wait3A_260 = arith.constant 0 : i32
    %dma_wait3A_261 = tpu.memref_slice %arg6[%dma_wait3A_244, %dma_wait3A_259, %dma_wait3A_260] : memref<4x104x128xf32, #tpu.memory_space<vmem>> -> memref<1x104x128xf32, #tpu.memory_space<vmem>>
    %dma_wait3A_262 = tpu.memref_squeeze %dma_wait3A_261 : memref<1x104x128xf32, #tpu.memory_space<vmem>> -> memref<104x128xf32, #tpu.memory_space<vmem>>
    %dma_wait3A_263 = tpu.memref_reshape %dma_wait3A_262 : memref<104x128xf32, #tpu.memory_space<vmem>> -> memref<4x26x128xf32, #tpu.memory_space<vmem>>
    tpu.wait_dma2 semaphore(%dma_wait3A_255 : memref<!tpu.dma_semaphore, #tpu.memory_space<semaphore_mem>>) src(%dma_wait3A_263 : memref<4x26x128xf32, #tpu.memory_space<vmem>>) dst(%dma_wait3A_258 : memref<4x26x128xf32, #tpu.memory_space<hbm>>)
    %dma_wait3A_264 = arith.constant 3 : i32
    %dma_wait3A_265 = arith.constant 3 : i32
    %dma_wait3A_266 = arith.constant 0 : i32
    %dma_wait3A_267 = arith.constant 0 : i32
    %dma_wait3A_268 = tpu.memref_slice %arg6[%dma_wait3A_264, %dma_wait3A_266, %dma_wait3A_267] : memref<4x104x128xf32, #tpu.memory_space<vmem>> -> memref<1x104x128xf32, #tpu.memory_space<vmem>>
    %dma_wait3A_269 = tpu.memref_squeeze %dma_wait3A_268 : memref<1x104x128xf32, #tpu.memory_space<vmem>> -> memref<104x128xf32, #tpu.memory_space<vmem>>
    %dma_wait3A_270 = tpu.memref_reshape %dma_wait3A_269 : memref<104x128xf32, #tpu.memory_space<vmem>> -> memref<4x26x128xf32, #tpu.memory_space<vmem>>
    %dma_wait3A_271 = arith.constant 0 : i32
    %dma_wait3A_272 = arith.constant 0 : i32
    %dma_wait3A_273 = tpu.memref_slice %arg4[%mul3A_6, %dma_wait3A_271, %dma_wait3A_272] : memref<16384x26x128xf32, #tpu.memory_space<hbm>> -> memref<4x26x128xf32, #tpu.memory_space<hbm>>
    %dma_wait3A_274 = tpu.memref_slice %arg8[%dma_wait3A_265] : memref<4x!tpu.dma_semaphore, #tpu.memory_space<semaphore_mem>> -> memref<1x!tpu.dma_semaphore, #tpu.memory_space<semaphore_mem>>
    %dma_wait3A_275 = tpu.memref_squeeze %dma_wait3A_274 : memref<1x!tpu.dma_semaphore, #tpu.memory_space<semaphore_mem>> -> memref<!tpu.dma_semaphore, #tpu.memory_space<semaphore_mem>>
    %dma_wait3A_276 = arith.constant 0 : i32
    %dma_wait3A_277 = arith.constant 0 : i32
    %dma_wait3A_278 = tpu.memref_slice %arg4[%mul3A_6, %dma_wait3A_276, %dma_wait3A_277] : memref<16384x26x128xf32, #tpu.memory_space<hbm>> -> memref<4x26x128xf32, #tpu.memory_space<hbm>>
    %dma_wait3A_279 = arith.constant 0 : i32
    %dma_wait3A_280 = arith.constant 0 : i32
    %dma_wait3A_281 = tpu.memref_slice %arg6[%dma_wait3A_264, %dma_wait3A_279, %dma_wait3A_280] : memref<4x104x128xf32, #tpu.memory_space<vmem>> -> memref<1x104x128xf32, #tpu.memory_space<vmem>>
    %dma_wait3A_282 = tpu.memref_squeeze %dma_wait3A_281 : memref<1x104x128xf32, #tpu.memory_space<vmem>> -> memref<104x128xf32, #tpu.memory_space<vmem>>
    %dma_wait3A_283 = tpu.memref_reshape %dma_wait3A_282 : memref<104x128xf32, #tpu.memory_space<vmem>> -> memref<4x26x128xf32, #tpu.memory_space<vmem>>
    tpu.wait_dma2 semaphore(%dma_wait3A_275 : memref<!tpu.dma_semaphore, #tpu.memory_space<semaphore_mem>>) src(%dma_wait3A_283 : memref<4x26x128xf32, #tpu.memory_space<vmem>>) dst(%dma_wait3A_278 : memref<4x26x128xf32, #tpu.memory_space<hbm>>)
    return
  }
}

</mosaic_0001>

<sc_bundles>
// kernel: kernel.3.cloned.1.call-start
scs
__scs_entry_jumppad:
0x0: {  	(pc) =	sbr.rel $0x88, $3  }
0x1: {  	(tag) =	ssettag $0x0;
	lr =	simm.s32 $0x1  }
0x2: {  	[smem:$0x3F9F] =	sst lr;
	_ =	strace $0xD0000000  }
0x3: {  	_ = 	snop  }
0x4: {  	_ = 	snop  }
0x5: {  	_ = 	snop  }
0x6: {  	_ = 	snop  }
0x7: {  	_ = 	snop  }
__scs_overlays_trampoline_lowered:
0x8: {  	[smem:$0x3FAE] =	sst s0  }
0x9: {  	[smem:$0x3FAF] =	sst s1  }
0xa: {  	[smem:$0x3FB0] =	sst s2  }
0xb: {  	[smem:$0x3FB1] =	sst s3  }
0xc: {  	[smem:$0x3FB2] =	sst s4  }
0xd: {  	[smem:$0x3FB3] =	sst s5  }
0xe: {  	[smem:$0x3FB4] =	sst s6  }
0xf: {  	[smem:$0x3FB5] =	sst s7  }
0x10: {  	[smem:$0x3FB6] =	sst s8  }
0x11: {  	[smem:$0x3FB7] =	sst s9;
	s0 =	simm.s32 @!p0 $0x0  }
0x12: {  	s1 =	sld [smem:$0x3F9D];
	s0 =	simm.s32 @p0 $0x1  }
0x13: {  	[smem:$0x3FB8] =	sst s0;
	s0 =	simm.s32 @!p1 $0x0  }
0x14: {  	s2 =	sld [smem:$0x3F9C];
	s0 =	simm.s32 @p1 $0x1  }
0x15: {  	[smem:$0x3FB9] =	sst s0;
	s0 =	simm.s32 @!p2 $0x0  }
0x16: {  	s3 =	sld [smem:$0x3FDB];
	s0 =	simm.s32 @p2 $0x1  }
0x17: {  	s4 =	simm.s32 $0x1BF5;
	[smem:$0x3FBB] =	sst s0  }
0x18: {  	s0 =	sld [smem:$0x3F9E];
	_ =	swait.ge [sflag:s4], $0x0  }
0x19: {  	s7 =	sld [smem:$0x3F9F]  }
0x1a: {  	s8 =	sadd.s32 $0xFFFFE003, lr  }
0x1b: {  	s9 =	sadd.s32 $0xFFFFFEF7, lr;
	s5 =	simm.s32 $0xFFFFFFFF;
	p2 =	slt.u32 s8, $0xFFFFF086  }
0x1c: {  	p1 =	slt.u32 s9, $0xF7A;
	s5 =	simm.s32 @!p2 $0x0  }
0x1d: {  	s5 =	simm.s32 @p1 $0x1;
	p0 =	seq.s32 s7, s2  }
0x1e: {  	s7 =	smul.u32 @!p0 $0xF7A, s2;
	p2 =	seq.s32 @!p0 s5, $0x0  }
0x1f: {  	s9 =	smul.u32 $0xF7A, s1;
	s8 =	simm.s32 @!p0 $0x1BF5;
	p2 =	por !p2, p0  }
0x20: {  	[sflag:s8] =	ssyncset.s32 @!p0 $0xFFFFF086;
	s6 =	sadd.s32 @!p0 s3, s7;
	s7 =	simm.s32 @!p0 $0x108  }
0x21: {  	s3 =	sadd.s32 s3, s9;
	s6 =	sadd.s32 @!p0 $0x88, s6;
	s7 =	simm.s32 @p2 $0x1082  }
0x22: {  	[simem:s7], [sflag:s8] =	dma.local @!p0 [hbm:s6], $0xF7A  }
0x23: {  	s9 =	sor.u32 $0xD0000000, s2;
	s6 =	simm.s32 $0x108;
	_ =	swait.ge @!p0 [sflag:s8], $0x0  }
0x24: {  	s3 =	sadd.s32 $0x88, s3;
	s6 =	simm.s32 @!p1 $0x1082;
	[sflag:s4] =	ssyncset.s32 $0xFFFFF086  }
0x25: {  	[simem:s6], [sflag:s4] =	dma.local [hbm:s3], $0xF7A  }
0x26: {  	[smem:$0x3F9F] =	sst s1;
	(tag) =	ssettag s2;
	_ =	strace s9  }
0x27: {  	s1 =	sld [smem:$0x3FAF]  }
0x28: {  	s2 =	sld [smem:$0x3FB0]  }
0x29: {  	s4 =	sld [smem:$0x3FB2]  }
0x2a: {  	p0 =	seq.s32 s5, $0x0;
	s5 =	sld [smem:$0x3FB3]  }
0x2b: {  	s6 =	sld [smem:$0x3FB4]  }
0x2c: {  	s7 =	sld [smem:$0x3FB5]  }
0x2d: {  	s3 =	simm.s32 $0x108;
	s8 =	sld [smem:$0x3FB6]  }
0x2e: {  	s3 =	simm.s32 @!p0 $0x1082;
	s9 =	sld [smem:$0x3FB7]  }
0x2f: {  	lr =	sadd.s32 s0, s3;
	s0 =	sld [smem:$0x3FAE]  }
0x30: {  	s3 =	sld [smem:$0x3FB1]  }
0x31: {  	[smem:$0x3FBA] =	sst s10  }
0x32: {  	s10 =	sld [smem:$0x3FB8];
	_ =	sdelay $0x3  }
0x33: {  	p0 =	seq.s32 s10, $0x1;
	s10 =	sld [smem:$0x3FBA];
	_ =	sdelay $0x3  }
0x34: {  	[smem:$0x3FBA] =	sst s10  }
0x35: {  	s10 =	sld [smem:$0x3FB9];
	_ =	sdelay $0x3  }
0x36: {  	p1 =	seq.s32 s10, $0x1;
	s10 =	sld [smem:$0x3FBA];
	_ =	sdelay $0x3  }
0x37: {  	[smem:$0x3FBA] =	sst s10  }
0x38: {  	s10 =	sld [smem:$0x3FBB]  }
0x39: {  	_ = 	snop;
	(pc) =	sbr.ind lr, $3  }
0x3a: {  	_ = 	snop  }
0x3b: {  	_ = 	snop  }
0x3c: {  	p2 =	seq.s32 s10, $0x1;
	s10 =	sld [smem:$0x3FBA]  }
0x3d: {  	_ =	shalt  }
0x3e: {  	_ =	shalt  }
0x3f: {  	_ =	shalt  }
0x40: {  	_ =	shalt  }
0x41: {  	_ =	shalt  }
0x42: {  	_ =	shalt  }
0x43: {  	_ =	shalt  }
0x44: {  	_ =	shalt  }
0x45: {  	_ =	shalt  }
0x46: {  	_ =	shalt  }
0x47: {  	_ =	shalt  }
0x48: {  	_ =	shalt  }
0x49: {  	_ =	shalt  }
0x4a: {  	_ =	shalt  }
0x4b: {  	_ =	shalt  }
0x4c: {  	_ =	shalt  }
0x4d: {  	_ =	shalt  }
0x4e: {  	_ =	shalt  }
0x4f: {  	_ =	shalt  }
0x50: {  	_ =	shalt  }
0x51: {  	_ =	shalt  }
0x52: {  	_ =	shalt  }
0x53: {  	_ =	shalt  }
0x54: {  	_ =	shalt  }
0x55: {  	_ =	shalt  }
0x56: {  	_ =	shalt  }
0x57: {  	_ =	shalt  }
0x58: {  	_ =	shalt  }
0x59: {  	_ =	shalt  }
0x5a: {  	_ =	shalt  }
0x5b: {  	_ =	shalt  }
0x5c: {  	_ =	shalt  }
0x5d: {  	_ =	shalt  }
0x5e: {  	_ =	shalt  }
0x5f: {  	_ =	shalt  }
0x60: {  	_ =	shalt  }
0x61: {  	_ =	shalt  }
0x62: {  	_ =	shalt  }
0x63: {  	_ =	shalt  }
0x64: {  	_ =	shalt  }
0x65: {  	_ =	shalt  }
0x66: {  	_ =	shalt  }
0x67: {  	_ =	shalt  }
0x68: {  	_ =	shalt  }
0x69: {  	_ =	shalt  }
0x6a: {  	_ =	shalt  }
0x6b: {  	_ =	shalt  }
0x6c: {  	_ =	shalt  }
0x6d: {  	_ =	shalt  }
0x6e: {  	_ =	shalt  }
0x6f: {  	_ =	shalt  }
0x70: {  	_ =	shalt  }
0x71: {  	_ =	shalt  }
0x72: {  	_ =	shalt  }
0x73: {  	_ =	shalt  }
0x74: {  	_ =	shalt  }
0x75: {  	_ =	shalt  }
0x76: {  	_ =	shalt  }
0x77: {  	_ =	shalt  }
0x78: {  	_ =	shalt  }
0x79: {  	_ =	shalt  }
0x7a: {  	_ =	shalt  }
0x7b: {  	_ =	shalt  }
0x7c: {  	_ =	shalt  }
0x7d: {  	_ =	shalt  }
0x7e: {  	_ =	shalt  }
0x7f: {  	_ =	shalt  }
0x80: {  	_ =	shalt  }
0x81: {  	_ =	shalt  }
0x82: {  	_ =	shalt  }
0x83: {  	_ =	shalt  }
0x84: {  	_ =	shalt  }
0x85: {  	_ =	shalt  }
0x86: {  	_ =	shalt  }
0x87: {  	_ =	shalt  }
.Lfunc_end0:
.L_simem_size_0:
called_computation_lowered:
.L_overlay_start_0:
0x88: {  	s2 =	sld [smem:$0x3FD9]  }
0x89: {  	s3 =	sld [smem:$0x3FFE];
	_ =	sdelay $0x1  }
0x8a: {  	s1 =	srdreg.scid  }
0x8b: {  	s0 =	sand.u32 $0x1, s1  }
0x8c: {  	s17 =	sshll.u32 s0, $0xA;
	s2 =	sadd.s32 s3, s2  }
0x8d: {  	s2 =	sadd.s32 s2, s17  }
0x8e: {  	[smem:$0x3FC6] =	sst s2  }
0x8f: {  	_ = 	snop  }
0x90: {  	s2 =	sld [smem:$0x3FC8]  }
0x91: {  	s18 =	sld [smem:$0x3FD0];
	(tm) =	ssettm $0x1  }
0x92: {  	s4 =	sld [smem:$0x3FFB];
	_ =	sdelay $0x3  }
0x93: {  	_ =	strace s4  }
0x94: {  	s4 =	sld [smem:$0x3FFC];
	_ =	sdelay $0x3  }
0x95: {  	_ =	strace s4  }
0x96: {  	s4 =	sld [smem:$0x3FFD];
	_ =	sdelay $0x3  }
0x97: {  	_ =	strace s4  }
0x98: {  	_ =	strace $0x8FFFFFFF  }
0x99: {  	s19 =	sld [smem:$0x3FDB];
	_ =	sdelay $0x1  }
0x9a: {  	s5 =	simm.s32 $_scs_section_size  }
0x9b: {  	s6 =	simm.s32 $_size__tile_overlayer_lowered;
	s7 =	simm.s32 $_tile_overlayer_lowered  }
0x9c: {  	s22 =	simm.s32 $0x1BFF;
	s21 =	sshll.u32 s7, $0x1;
	s4 =	sadd.s32 s5, s19  }
0x9d: {  	s8 =	simm.s32 $0x0;
	s20 =	sshll.u32 s6, $0x1;
	s6 =	sadd.s32 s21, s4  }
0x9e: {  	[timem:s8], [sflag:s22] =	dma.local [hbm:s6], s20  }
0x9f: {  	_ =	swait.ge [sflag:s22], s20  }
0xa0: {  	s5 =	ssub.s32 $0x0, s20;
	[sflag:s22] =	ssyncset.done $0x0  }
0xa1: {  	[sflag:s22] =	ssyncadd.s32 s5;
	_ =	sdelay $0x1  }
0xa2: {  	s23 =	simm.s32 $0x1B8B  }
0xa3: {  	_ =	swait.ge [sflag:s23], $0x1  }
0xa4: {  	[sflag:s23] =	ssyncset.done $0x0  }
0xa5: {  	s25 =	simm.s32 $0x1B8E;
	s24 =	sld [smem:$0x3FFE];
	[sflag:s23] =	ssyncadd.s32 $0xFFFFFFFF  }
0xa6: {  	s26 =	simm.s32 $execute0_lowered;
	[smem:$0x3FD2] =	sst s25  }
0xa7: {  	s6 =	sshll.u32 s26, $0x1;
	_ =	strace $0x80000046;
	[dreg:$0x1] =	wrdreg $0xFFFFFFFF  }
0xa8: {  	s28 =	simm.s32 $_size_execute0_lowered;
	s4 =	sadd.s32 s4, s6;
	[dreg:$0x0] =	wrdreg $0x0  }
0xa9: {  	s6 =	sshll.u32 s28, $0x1;
	[dreg:$0x2] =	wrdreg s4  }
0xaa: {  	[dreg:$0x3] =	wrdreg s6  }
0xab: {  	[dreg:$0x4] =	wrdreg $0xC0  }
0xac: {  	_ =	task [dreg:s8], $0x5FFFF  }
0xad: {  	[dreg:$0x1] =	wrdreg $0xFFFFFFFF  }
0xae: {  	[dreg:$0x0] =	wrdreg $0x60  }
0xaf: {  	[dreg:$0x2] =	wrdreg s2  }
0xb0: {  	[dreg:$0x3] =	wrdreg s18  }
0xb1: {  	[dreg:$0x4] =	wrdreg s24  }
0xb2: {  	[dreg:$0x5] =	wrdreg $0x9  }
0xb3: {  	_ =	task.clear_ibuf [dreg:s8], $0x6FFFF;
	_ =	strace $0x90000046  }
0xb4: {  	s29 =	simm.s32 $0x9;
	_ =	strace $0x80000048  }
0xb5: {  	_ =	swait.ge [sflag:s29], $0x1  }
0xb6: {  	[sflag:s29] =	ssyncadd.s32 $0xFFFFFFFF  }
0xb7: {  	_ =	strace $0x90000048  }
0xb8: {  	_ =	sfence  }
0xb9: {  	s30 =	sld [smem:$0x0];
	_ =	sdelay $0x2  }
0xba: {  	s31 =	sshll.u32 s1, $0xD;
	s1 =	sshrl.u32 s1, $0x2  }
0xbb: {  	s3 =	sand.u32 $0x4000, s31;
	s1 =	sadd.s32 s1, s30  }
0xbc: {  	s0 =	sor.u32 s3, s0;
	s1 =	sshll.u32 s1, $0x11  }
0xbd: {  	s0 =	sor.u32 s1, s0  }
0xbe: {  	s0 =	sadd.s32 $0x8F2B, s0  }
0xbf: {  	[sflag:s0] =	ssyncadd.remote.s32 $0x1  }
0xc0: {  	_ =	sfence.sel $0xFFFF  }
0xc1: {  	[dreg:$0x0] =	wrdreg $0xFFFFFFFF;
	(pc) =	sbr.abs _section_cstart, $3  }
0xc2: {  	[dreg:$0x1] =	wrdreg $0xFFFFFFFF  }
0xc3: {  	_ =	task.clear_ibuf [dreg:s8], $0x2FFFF;
	_ =	strace $0x9FFFFFFF  }
0xc4: {  	(tm) =	ssettm $0x7FFFFFFF  }
0xc5: {  	_ =	shalt  }
tec
execute0_lowered:
.L_overlay_start_1:
0x0: {  	(tag) =	ssettag $0x1  }
0x1: {  	s1 =	rddreg [dreg:$0x0]  }
0x2: {  	s0 =	rddreg [dreg:$0x1]  }
0x3: {  	s2 =	rddreg [dreg:$0x2]  }
0x4: {  	s3 =	srdreg.scid;
	s8 =	stileid.u32;
	s5 =	simm.s32 $0x0  }
0x5: {  	s14 =	simm.s32 $0x9;
	s15 =	simm.s32 $0x68;
	s16 =	simm.s32 $0x3400  }
0x6: {  	s17 =	simm.s32 $0x6800;
	s19 =	simm.s32 $0x9C00;
	s28 =	simm.s32 $0x4  }
0x7: {  	s29 =	simm.s32 $0x5;
	s30 =	simm.s32 $0x6;
	s31 =	simm.s32 $0x7  }
0x8: {  	s3 =	sand.u32 $0x1, s3;
	s4 =	sshll.u32 s8, $0x1;
	[smem:$0x7FF] =	sst s5  }
0x9: {  	s2 =	sadd.s32 $0x400, s2;
	s22 =	sshll.u32 s8, $0x13;
	s4 =	sor.u32 s3, s4  }
0xa: {  	_ =	strace $0x80000047;
	s20 =	ssub.s32 $0x2, s3;
	s3 =	sshll.u32 s3, $0x12  }
0xb: {  	s6 =	smul.u32 $0x680, s4;
	s7 =	sshrl.u32 s20, $0x1;
	s4 =	sshll.u32 s4, $0x12  }
0xc: {  	s25 =	sor.u32 s3, s22;
	s5 =	ssub.s32 s20, s7;
	s21 =	sadd.s32 s4, s2  }
0xd: {  	s26 =	sadd.s32 s25, s2;
	s2 =	sadd.s32 s22, s2;
	s22 =	simm.s32 $0x1  }
0xe: {  	s25 =	simm.s32 $0x2;
	s0 =	sadd.s32 s0, s6;
	s4 =	sadd.s32 $0x3E000, s21  }
0xf: {  	s23 =	sadd.s32 $0x3E800, s21;
	s24 =	sadd.s32 $0x3F000, s21;
	s8 =	sadd.s32 $0x3F800, s21  }
0x10: {  	s9 =	smax.u32 s5, $0x1;
	s10 =	sadd.s32 $0x1800, s26;
	[dreg:$0x4] =	wrdreg s0  }
0x11: {  	s11 =	sadd.s32 $0x1000, s26;
	s12 =	sadd.s32 $0x800, s26;
	[dreg:$0x5] =	wrdreg s4  }
0x12: {  	s13 =	sadd.s32 s3, s2;
	s21 =	simm.s32 $0xD000;
	[dreg:$0x6] =	wrdreg s23  }
0x13: {  	s26 =	simm.s32 $0x3;
	s2 =	simm.s32 $0x0;
	[dreg:$0x7] =	wrdreg s24  }
0x14: {  	s23 =	simm.s32 $0xD00;
	s24 =	simm.s32 $0x1000;
	s0 =	simm.s32 $0x8  }
.LBB2_1:
0x15: {  	s3 =	simm.s32 $0x0;
	s4 =	rddreg [dreg:$0x4]  }
0x16: {  	[tilespmem:s3], [sflag:$0x9] =	stream.linear.gather [hbm4b:s4+s3], $0x3400, $0x38;
	[tilespmem:$0x10400] =	vst v63  }
0x17: {  	_ =	swait.ge [sflag:s14], $0x3400  }
0x18: {  	[sflag:s14] =	ssyncset.done $0x0  }
0x19: {  	[sflag:s14] =	ssyncadd.s32 $0xFFFFCC00  }
0x1a: {  	[tilespmem:s16], [sflag:$0x1] =	stream.indirect.gather [hbm4b:s1+s15], $0x80, s3, s15, $0xb8;
	[tilespmem:$0x10400] =	vst v63  }
0x1b: {  	_ = 	snop  }
0x1c: {  	[tilespmem:s17], [sflag:$0x2] =	stream.indirect.gather [hbm4b:s1+s15], $0x80, s15, s15, $0xb8;
	[tilespmem:$0x10400] =	vst v63  }
0x1d: {  	s5 =	simm.s32 $0xD0  }
0x1e: {  	[tilespmem:s19], [sflag:$0x3] =	stream.indirect.gather [hbm4b:s1+s15], $0x80, s5, s15, $0xb8;
	[tilespmem:$0x10400] =	vst v63  }
0x1f: {  	s6 =	simm.s32 $0x138  }
0x20: {  	[tilespmem:s21], [sflag:$0x4] =	stream.indirect.gather [hbm4b:s1+s15], $0x80, s6, s15, $0xb8;
	[tilespmem:$0x10400] =	vst v63  }
0x21: {  	_ =	swait.ge [sflag:s22], $0x3400  }
0x22: {  	[sflag:s22] =	ssyncset.done $0x0  }
0x23: {  	[sflag:s22] =	ssyncadd.s32 $0xFFFFCC00  }
0x24: {  	[hbm4b:s13+s23] =	stream.strided.scatter [tilespmem:s16], [sflag:$0x5], $0x3400, s24, s23, $0x38;
	[tilespmem:$0x10400] =	vst v63  }
0x25: {  	_ =	swait.ge [sflag:s25], $0x3400  }
0x26: {  	[sflag:s25] =	ssyncset.done $0x0  }
0x27: {  	[sflag:s25] =	ssyncadd.s32 $0xFFFFCC00  }
0x28: {  	[hbm4b:s12+s23] =	stream.strided.scatter [tilespmem:s17], [sflag:$0x6], $0x3400, s24, s23, $0x38;
	[tilespmem:$0x10400] =	vst v63  }
0x29: {  	_ =	swait.ge [sflag:s26], $0x3400  }
0x2a: {  	[sflag:s26] =	ssyncset.done $0x0  }
0x2b: {  	[sflag:s26] =	ssyncadd.s32 $0xFFFFCC00  }
0x2c: {  	[hbm4b:s11+s23] =	stream.strided.scatter [tilespmem:s19], [sflag:$0x7], $0x3400, s24, s23, $0x38;
	[tilespmem:$0x10400] =	vst v63  }
0x2d: {  	_ =	swait.ge [sflag:s28], $0x3400  }
0x2e: {  	[sflag:s28] =	ssyncset.done $0x0  }
0x2f: {  	[sflag:s28] =	ssyncadd.s32 $0xFFFFCC00  }
0x30: {  	[hbm4b:s10+s23] =	stream.strided.scatter [tilespmem:s21], [sflag:$0x8], $0x3400, s24, s23, $0x38;
	[tilespmem:$0x10400] =	vst v63  }
0x31: {  	_ =	swait.ge [sflag:s29], $0x3400  }
0x32: {  	[sflag:s29] =	ssyncset.done $0x0  }
0x33: {  	s7 =	simm.s32 $0x1A0;
	[sflag:s29] =	ssyncadd.s32 $0xFFFFCC00  }
0x34: {  	[tilespmem:s16], [sflag:$0x1] =	stream.indirect.gather [hbm4b:s1+s15], $0x80, s7, s15, $0xb8;
	[tilespmem:$0x10400] =	vst v63  }
0x35: {  	_ =	swait.ge [sflag:s30], $0x3400  }
0x36: {  	[sflag:s30] =	ssyncset.done $0x0  }
0x37: {  	s18 =	simm.s32 $0x208;
	[sflag:s30] =	ssyncadd.s32 $0xFFFFCC00  }
0x38: {  	[tilespmem:s17], [sflag:$0x2] =	stream.indirect.gather [hbm4b:s1+s15], $0x80, s18, s15, $0xb8;
	[tilespmem:$0x10400] =	vst v63  }
0x39: {  	_ =	swait.ge [sflag:s31], $0x3400  }
0x3a: {  	[sflag:s31] =	ssyncset.done $0x0  }
0x3b: {  	s20 =	simm.s32 $0x270;
	[sflag:s31] =	ssyncadd.s32 $0xFFFFCC00  }
0x3c: {  	[tilespmem:s19], [sflag:$0x3] =	stream.indirect.gather [hbm4b:s1+s15], $0x80, s20, s15, $0xb8;
	[tilespmem:$0x10400] =	vst v63  }
0x3d: {  	s4 =	sadd.s32 $0x2000, s12;
	s3 =	sadd.s32 $0x2000, s11;
	_ =	swait.ge [sflag:s0], $0x3400  }
0x3e: {  	s5 =	sadd.s32 $0x2000, s10;
	s6 =	simm.s32 $0x2D8;
	[sflag:s0] =	ssyncset.done $0x0  }
0x3f: {  	s18 =	simm.s32 $0x680;
	s20 =	sadd.s32 $0x2000, s13;
	[sflag:s0] =	ssyncadd.s32 $0xFFFFCC00  }
.LBB2_2:
0x40: {  	[tilespmem:s21], [sflag:$0x4] =	stream.indirect.gather [hbm4b:s1+s15], $0x80, s6, s15, $0xb8;
	[tilespmem:$0x10400] =	vst v63  }
0x41: {  	s6 =	smov.u32 s18  }
0x42: {  	p0 =	sne.s32 s18, $0xC300;
	s18 =	sadd.s32 $0x680, s18;
	_ =	swait.ge [sflag:s22], $0x3400  }
0x43: {  	[sflag:s22] =	ssyncset.done $0x0  }
0x44: {  	[sflag:s22] =	ssyncadd.s32 $0xFFFFCC00  }
0x45: {  	[hbm4b:s20+s23] =	stream.strided.scatter [tilespmem:s16], [sflag:$0x5], $0x3400, s24, s23, $0x38;
	[tilespmem:$0x10400] =	vst v63  }
0x46: {  	_ =	swait.ge [sflag:s25], $0x3400  }
0x47: {  	[sflag:s25] =	ssyncset.done $0x0  }
0x48: {  	[sflag:s25] =	ssyncadd.s32 $0xFFFFCC00  }
0x49: {  	[hbm4b:s4+s23] =	stream.strided.scatter [tilespmem:s17], [sflag:$0x6], $0x3400, s24, s23, $0x38;
	[tilespmem:$0x10400] =	vst v63  }
0x4a: {  	_ =	swait.ge [sflag:s26], $0x3400  }
0x4b: {  	[sflag:s26] =	ssyncset.done $0x0  }
0x4c: {  	[sflag:s26] =	ssyncadd.s32 $0xFFFFCC00  }
0x4d: {  	[hbm4b:s3+s23] =	stream.strided.scatter [tilespmem:s19], [sflag:$0x7], $0x3400, s24, s23, $0x38;
	[tilespmem:$0x10400] =	vst v63  }
0x4e: {  	_ =	swait.ge [sflag:s28], $0x3400  }
0x4f: {  	[sflag:s28] =	ssyncset.done $0x0  }
0x50: {  	[sflag:s28] =	ssyncadd.s32 $0xFFFFCC00  }
0x51: {  	[hbm4b:s5+s23] =	stream.strided.scatter [tilespmem:s21], [sflag:$0x8], $0x3400, s24, s23, $0x38;
	[tilespmem:$0x10400] =	vst v63  }
0x52: {  	_ =	swait.ge [sflag:s29], $0x3400  }
0x53: {  	s6 =	sshra.s32 s6, $0x2;
	[sflag:s29] =	ssyncset.done $0x0  }
0x54: {  	s7 =	sadd.s32 $0x1A0, s6;
	[sflag:s29] =	ssyncadd.s32 $0xFFFFCC00  }
0x55: {  	[tilespmem:s16], [sflag:$0x1] =	stream.indirect.gather [hbm4b:s1+s15], $0x80, s7, s15, $0xb8;
	[tilespmem:$0x10400] =	vst v63  }
0x56: {  	_ =	swait.ge [sflag:s30], $0x3400  }
0x57: {  	[sflag:s30] =	ssyncset.done $0x0  }
0x58: {  	s7 =	sadd.s32 $0x208, s6;
	[sflag:s30] =	ssyncadd.s32 $0xFFFFCC00  }
0x59: {  	[tilespmem:s17], [sflag:$0x2] =	stream.indirect.gather [hbm4b:s1+s15], $0x80, s7, s15, $0xb8;
	[tilespmem:$0x10400] =	vst v63  }
0x5a: {  	_ =	swait.ge [sflag:s31], $0x3400  }
0x5b: {  	[sflag:s31] =	ssyncset.done $0x0  }
.Ltmp0:
0x5c: {  	s7 =	sadd.s32 $0x270, s6;
	[sflag:s31] =	ssyncadd.s32 $0xFFFFCC00;
	(pc) =	sbr.rel @p0 .LBB2_2-.Ltmp0, $4  }
0x5d: {  	[tilespmem:s19], [sflag:$0x3] =	stream.indirect.gather [hbm4b:s1+s15], $0x80, s7, s15, $0xb8;
	[tilespmem:$0x10400] =	vst v63  }
0x5e: {  	s20 =	sadd.s32 $0x2000, s20;
	_ =	swait.ge [sflag:s0], $0x3400  }
0x5f: {  	s4 =	sadd.s32 $0x2000, s4;
	s3 =	sadd.s32 $0x2000, s3;
	[sflag:s0] =	ssyncset.done $0x0  }
0x60: {  	s5 =	sadd.s32 $0x2000, s5;
	s6 =	sadd.s32 $0x2D8, s6;
	[sflag:s0] =	ssyncadd.s32 $0xFFFFCC00  }
0x61: {  	[tilespmem:s21], [sflag:$0x4] =	stream.indirect.gather [hbm4b:s1+s15], $0x80, s6, s15, $0xb8;
	[tilespmem:$0x10400] =	vst v63  }
0x62: {  	_ =	swait.ge [sflag:s22], $0x3400  }
0x63: {  	[sflag:s22] =	ssyncset.done $0x0  }
0x64: {  	s3 =	rddreg [dreg:$0x5];
	[sflag:s22] =	ssyncadd.s32 $0xFFFFCC00  }
0x65: {  	[hbm4b:s3+s23] =	stream.strided.scatter [tilespmem:s16], [sflag:$0x5], $0x3400, s24, s23, $0x38;
	[tilespmem:$0x10400] =	vst v63  }
0x66: {  	_ =	swait.ge [sflag:s25], $0x3400  }
0x67: {  	[sflag:s25] =	ssyncset.done $0x0  }
0x68: {  	s18 =	rddreg [dreg:$0x6];
	[sflag:s25] =	ssyncadd.s32 $0xFFFFCC00  }
0x69: {  	[hbm4b:s18+s23] =	stream.strided.scatter [tilespmem:s17], [sflag:$0x6], $0x3400, s24, s23, $0x38;
	[tilespmem:$0x10400] =	vst v63  }
0x6a: {  	_ =	swait.ge [sflag:s26], $0x3400  }
0x6b: {  	[sflag:s26] =	ssyncset.done $0x0  }
0x6c: {  	s20 =	rddreg [dreg:$0x7];
	[sflag:s26] =	ssyncadd.s32 $0xFFFFCC00  }
0x6d: {  	[hbm4b:s20+s23] =	stream.strided.scatter [tilespmem:s19], [sflag:$0x7], $0x3400, s24, s23, $0x38;
	[tilespmem:$0x10400] =	vst v63  }
0x6e: {  	_ =	swait.ge [sflag:s28], $0x3400  }
0x6f: {  	[sflag:s28] =	ssyncset.done $0x0  }
0x70: {  	[sflag:s28] =	ssyncadd.s32 $0xFFFFCC00  }
0x71: {  	[hbm4b:s8+s23] =	stream.strided.scatter [tilespmem:s21], [sflag:$0x8], $0x3400, s24, s23, $0x38;
	[tilespmem:$0x10400] =	vst v63  }
0x72: {  	_ =	swait.ge [sflag:s29], $0x3400  }
0x73: {  	[sflag:s29] =	ssyncset.done $0x0  }
0x74: {  	[sflag:s29] =	ssyncadd.s32 $0xFFFFCC00  }
0x75: {  	_ =	swait.ge [sflag:s30], $0x3400  }
0x76: {  	[sflag:s30] =	ssyncset.done $0x0  }
0x77: {  	s2 =	sadd.s32 $0x1, s2;
	[sflag:s30] =	ssyncadd.s32 $0xFFFFCC00  }
0x78: {  	p0 =	sne.s32 s2, s9;
	_ =	swait.ge [sflag:s31], $0x3400  }
.Ltmp1:
0x79: {  	[sflag:s31] =	ssyncset.done $0x0;
	(pc) =	sbr.rel @p0 .LBB2_1-.Ltmp1, $4  }
0x7a: {  	[sflag:s31] =	ssyncadd.s32 $0xFFFFCC00  }
0x7b: {  	_ =	swait.ge [sflag:s0], $0x3400  }
0x7c: {  	[sflag:s0] =	ssyncset.done $0x0  }
0x7d: {  	[sflag:s0] =	ssyncadd.s32 $0xFFFFCC00  }
0x7e: {  	_ =	sfence.sel $0x180000  }
0x7f: {  	[bflag:$0x0] =	sbarrier.arrive $0xFFFF  }
0x80: {  	_ =	strace $0x90000047  }
0x81: {  	s0 =	stileid.u32;
	[bflag:$0x2] =	sbarrier.arrive $0xFFFF  }
0x82: {  	p0 =	sne.s32 s0, $0x0;
	s0 =	rddreg [dreg:$0x3]  }
0x83: {  	s0 =	sadd.s32 @!p0 $0x100000, s0  }
0x84: {  	[sflag:s0] =	ssyncadd.tile.s32 @!p0 $0x1;
	_ =	shalt  }
.Lfunc_end2:
_tile_overlayer_lowered:
.L_overlay_start_2:
0x85: {  	(tag) =	ssettag $0x2  }
0x86: {  	s0 =	rddreg [dreg:$0x0];
	s2 =	stileid.u32  }
0x87: {  	s1 =	rddreg [dreg:$0x1];
	p0 =	sne.s32 s2, $0x0  }
0x88: {  	s3 =	rddreg [dreg:$0x2];
	[bflag:$0x3] =	sbarrier.arrive $0xFFFF;
	s2 =	simm.s32 @!p0 $0x1C09  }
0x89: {  	[timem:s3], [sflag:s2] =	dma.local @!p0 [hbm:s0], s1  }
0x8a: {  	s0 =	simm.s32 @!p0 $0x9  }
0x8b: {  	_ =	swait.ge @!p0 [sflag:s0], s1  }
0x8c: {  	s1 =	ssub.s32 @!p0 $0x0, s1;
	[sflag:s0] =	ssyncset.done @!p0 $0x0  }
0x8d: {  	[sflag:s0] =	ssyncadd.s32 @!p0 s1  }
0x8e: {  	[bflag:$0x3] =	sbarrier.arrive $0xFFFF  }
0x8f: {  	_ =	shalt  }

</sc_bundles>
